<compile_context>
chip_gen: v7x
topology: tpu7x:2x2x1
jax: 0.10.2.dev20260603
libtpu: 0.0.44.dev20260713+nightly
codegen_flags: <defaults>
</compile_context>

<pallas_src>
import functools

import numpy as np

import jax
import jax.numpy as jnp
from jax import lax
from jax.experimental import pallas as pl
from jax.experimental.pallas import tpu as pltpu
from jax.experimental.pallas import tpu_sc as plsc

E = 8
TOPK = 2
D = 1024
DFF = 1024
SDFF = 2048
T = 2048
NPAIR = T * TOPK
BLK = 256
PMAX = NPAIR + E * BLK
NB = PMAX // BLK
NW = 32
BEXP_COLS = 64

_f32 = jnp.float32
_i32 = jnp.int32
_bf16 = jnp.bfloat16

_TOKTAB = np.tile(np.arange(T, dtype=np.int32), 2).reshape(NW, 2, 64)



def _plan_body(logits_ref, res_ref, pos_ref, bexp_ref):
    logits = logits_ref[...]
    m = jnp.max(logits, axis=1, keepdims=True)
    p = jnp.exp(logits - m)
    scores = p / jnp.sum(p, axis=1, keepdims=True)

    eidx = lax.broadcasted_iota(_i32, (T, E), 1).astype(_f32)
    m1 = jnp.max(scores, axis=1, keepdims=True)
    i1 = jnp.min(jnp.where(scores >= m1, eidx, float(E)), axis=1,
                 keepdims=True)
    c1 = (eidx == i1).astype(_f32)
    rest = jnp.where(c1 > 0, -jnp.inf, scores)
    m2 = jnp.max(rest, axis=1, keepdims=True)
    i2 = jnp.min(jnp.where(rest >= m2, eidx, float(E)), axis=1,
                 keepdims=True)
    c2 = (eidx == i2).astype(_f32)

    denom = m1 + m2 + 1e-20
    w1 = m1 / denom
    w2 = m2 / denom

    ones_t = jnp.ones((T, 1), _f32)
    ct = c1 + c2
    counts_col = lax.dot_general(ct, ones_t, (((0,), (0,)), ((), ())),
                                 precision=lax.Precision.HIGHEST)
    rup_col = jnp.ceil(counts_col / BLK) * BLK
    l8 = (lax.broadcasted_iota(_i32, (E, E), 1)
          < lax.broadcasted_iota(_i32, (E, E), 0)).astype(_f32)
    astart_col = lax.dot_general(l8, rup_col, (((1,), (0,)), ((), ())),
                                 precision=lax.Precision.HIGHEST)
    aend_col = astart_col + rup_col

    def rowb(v_col):
        return lax.dot_general(ones_t, v_col, (((1,), (1,)), ((), ())),
                               precision=lax.Precision.HIGHEST)

    ltri = (lax.broadcasted_iota(_i32, (T, T), 1)
            < lax.broadcasted_iota(_i32, (T, T), 0)).astype(_f32)
    cnt1 = lax.dot_general(ltri, c1, (((1,), (0,)), ((), ())))
    cnt2 = lax.dot_general(ltri, c2, (((1,), (0,)), ((), ())))
    c1tot_col = lax.dot_general(c1, ones_t, (((0,), (0,)), ((), ())),
                                precision=lax.Precision.HIGHEST)

    base = rowb(astart_col)
    pos1 = jnp.sum(c1 * (base + cnt1), axis=1, keepdims=True)
    pos2 = jnp.sum(c2 * (base + rowb(c1tot_col) + cnt2), axis=1,
                   keepdims=True)

    zero = jnp.zeros((T, E), _f32)
    res = (jnp.where(eidx == 0, w1, zero)
           + jnp.where(eidx == 1, w2, zero))
    res_ref[...] = res

    pos_ref[...] = jnp.concatenate(
        [jnp.reshape(pos1, (T // 128, 128)),
         jnp.reshape(pos2, (T // 128, 128))], axis=0).astype(_i32)

    ivals = lax.broadcasted_iota(_i32, (1, BEXP_COLS), 1).astype(_f32) * BLK
    ind = (ivals >= aend_col).astype(_f32)
    be_row = jnp.sum(ind, axis=0, keepdims=True)
    last_e = jnp.max(
        jnp.where(counts_col > 0,
                  lax.broadcasted_iota(_i32, (E, 1), 0).astype(_f32), 0.0))
    used = jnp.sum(rup_col) / BLK
    be_clamped = jnp.minimum(be_row, last_e)
    colid = lax.broadcasted_iota(_i32, (1, BEXP_COLS), 1).astype(_f32)
    bexp_ref[...] = jnp.where(colid == NB, used, be_clamped).astype(_i32)


def _plan_call(logits):
    return pl.pallas_call(
        _plan_body,
        out_shape=[
            jax.ShapeDtypeStruct((T, E), _f32),
            jax.ShapeDtypeStruct((NPAIR // 128, 128), _i32),
            jax.ShapeDtypeStruct((1, BEXP_COLS), _i32),
        ],
    )(logits)



@functools.cache
def _build_dispatch():
    mesh = plsc.VectorSubcoreMesh(core_axis_name="c", subcore_axis_name="s",
                                  num_cores=2, num_subcores=16)

    @functools.partial(
        pl.kernel,
        out_type=jax.ShapeDtypeStruct((PMAX, D), _f32),
        mesh=mesh,
        scratch_types=[
            pltpu.VMEM((2, 64), _i32),
            pltpu.VMEM((2, 64), _i32),
            pltpu.VMEM((64, D), _f32),
            pltpu.SemaphoreType.DMA,
            pltpu.SemaphoreType.DMA,
        ],
    )
    def dispatch(x_hbm, tok_hbm, pos_hbm, xs_hbm, tokv, posv, rows,
                 sem_g, sem_s):
        wid = lax.axis_index("s") * 2 + lax.axis_index("c")
        pltpu.sync_copy(tok_hbm.at[wid], tokv)
        pltpu.sync_copy(pos_hbm.at[wid], posv)
        for j in range(2):
            pltpu.async_copy(x_hbm.at[tokv.at[j]], rows, sem_g).wait()
            pltpu.async_copy(rows, xs_hbm.at[posv.at[j]], sem_s).wait()

    return dispatch


def _dispatch_call(x, tok_arr, pos_arr):
    return _build_dispatch()(x, tok_arr, pos_arr)



def _gffn_body(be_ref, xs_ref, wg_ref, wu_ref, wd_ref, out_ref):
    i = pl.program_id(0)

    @pl.when(i < be_ref[NB])
    def _():
        xb = xs_ref[...]
        g = lax.dot_general(xb, wg_ref[0], (((1,), (1,)), ((), ())),
                            preferred_element_type=_f32)
        u = lax.dot_general(xb, wu_ref[0], (((1,), (1,)), ((), ())),
                            preferred_element_type=_f32)
        h = g * jax.nn.sigmoid(g) * u
        out_ref[...] = lax.dot_general(h, wd_ref[0], (((1,), (1,)), ((), ())),
                                       preferred_element_type=_f32)


def _gffn_call(be, xs, w_gate, w_up, w_down):
    grid_spec = pltpu.PrefetchScalarGridSpec(
        num_scalar_prefetch=1,
        grid=(NB,),
        in_specs=[
            pl.BlockSpec((BLK, D), lambda i, be: (i, 0)),
            pl.BlockSpec((1, DFF, D), lambda i, be: (be[i], 0, 0)),
            pl.BlockSpec((1, DFF, D), lambda i, be: (be[i], 0, 0)),
            pl.BlockSpec((1, D, DFF), lambda i, be: (be[i], 0, 0)),
        ],
        out_specs=pl.BlockSpec((BLK, D), lambda i, be: (i, 0)),
    )
    return pl.pallas_call(
        _gffn_body,
        grid_spec=grid_spec,
        out_shape=jax.ShapeDtypeStruct((PMAX, D), _f32),
        compiler_params=pltpu.CompilerParams(
            dimension_semantics=("arbitrary",)),
    )(be, xs, w_gate, w_up, w_down)



_SBT = 512


def _sffn_body(x_ref, sg_ref, su_ref, sd_ref, out_ref):
    xb = x_ref[...]
    g = lax.dot_general(xb, sg_ref[...], (((1,), (1,)), ((), ())),
                        preferred_element_type=_f32)
    u = lax.dot_general(xb, su_ref[...], (((1,), (1,)), ((), ())),
                        preferred_element_type=_f32)
    h = g * jax.nn.sigmoid(g) * u
    out_ref[...] = lax.dot_general(h, sd_ref[...], (((1,), (1,)), ((), ())),
                                   preferred_element_type=_f32)


def _sffn_call(x, s_gate, s_up, s_down):
    return pl.pallas_call(
        _sffn_body,
        grid=(T // _SBT,),
        in_specs=[
            pl.BlockSpec((_SBT, D), lambda t: (t, 0)),
            pl.BlockSpec((SDFF, D), lambda t: (0, 0)),
            pl.BlockSpec((SDFF, D), lambda t: (0, 0)),
            pl.BlockSpec((D, SDFF), lambda t: (0, 0)),
        ],
        out_specs=pl.BlockSpec((_SBT, D), lambda t: (t, 0)),
        out_shape=jax.ShapeDtypeStruct((T, D), _f32),
        compiler_params=pltpu.CompilerParams(
            dimension_semantics=("arbitrary",)),
    )(x, s_gate, s_up, s_down)



@functools.cache
def _build_gather():
    mesh = plsc.VectorSubcoreMesh(core_axis_name="c", subcore_axis_name="s",
                                  num_cores=2, num_subcores=16)

    @functools.partial(
        pl.kernel,
        out_type=jax.ShapeDtypeStruct((NPAIR, D), _f32),
        mesh=mesh,
        scratch_types=[
            pltpu.VMEM((2, 64), _i32),
            pltpu.VMEM((64, D), _f32),
            pltpu.SemaphoreType.DMA,
        ],
    )
    def gather(ys_hbm, pos_hbm, out_hbm, posv, rows, sem):
        wid = lax.axis_index("s") * 2 + lax.axis_index("c")
        pltpu.sync_copy(pos_hbm.at[wid], posv)
        for j in range(2):
            pltpu.async_copy(ys_hbm.at[posv.at[j]], rows, sem).wait()
            pltpu.sync_copy(rows, out_hbm.at[pl.ds(wid * 128 + j * 64, 64)])

    return gather


def _gather_call(ys, pos_arr):
    return _build_gather()(ys, pos_arr)


_CBT = 512


def _cmb_body(wts_ref, sh_ref, y1_ref, y2_ref, out_ref):
    w1 = wts_ref[:, 0:1]
    w2 = wts_ref[:, 1:2]
    out_ref[...] = sh_ref[...] + w1 * y1_ref[...] + w2 * y2_ref[...]


def _cmb_call(wts, sh, y1, y2):
    return pl.pallas_call(
        _cmb_body,
        grid=(T // _CBT,),
        in_specs=[
            pl.BlockSpec((_CBT, E), lambda t: (t, 0)),
            pl.BlockSpec((_CBT, D), lambda t: (t, 0)),
            pl.BlockSpec((_CBT, D), lambda t: (t, 0)),
            pl.BlockSpec((_CBT, D), lambda t: (t, 0)),
        ],
        out_specs=pl.BlockSpec((_CBT, D), lambda t: (t, 0)),
        out_shape=jax.ShapeDtypeStruct((T, D), _f32),
        compiler_params=pltpu.CompilerParams(
            dimension_semantics=("parallel",)),
    )(wts, sh, y1, y2)



def kernel(hidden_states, router_w, w_gate, w_up, w_down, s_gate, s_up,
           s_down):
    bsz, seq_len, h = hidden_states.shape
    x = hidden_states.reshape(T, D)

    logits = x @ router_w.T
    res, posp, bexp = _plan_call(logits)
    be = bexp[0, :NB + 1]
    pos_arr = posp.reshape(NW, 2, 64)

    xs = _dispatch_call(x, jnp.asarray(_TOKTAB), pos_arr)
    sh = _sffn_call(x, s_gate, s_up, s_down)

    ys = _gffn_call(be, xs, w_gate, w_up, w_down)

    yp = _gather_call(ys, pos_arr)
    y = _cmb_call(res, sh, yp[:T], yp[T:])
    return y.reshape(bsz, seq_len, h)

# --- scband reference (transcript-rebuilt; emitter-appended) ---
"""Pipeline reference for scband-deepseek-mo-e-89773406421361 (READ-ONLY COPY).

The authoritative reference and input builder live on the scoring server;
editing this copy changes nothing except your own understanding.
"""

import jax, jax.numpy as jnp
import numpy as np

E = 8
TOPK = 2
D = 1024
DFF = 1024
NSHARED = 2
SDFF = DFF * NSHARED


def setup_inputs(seed: int = 0) -> dict:
    key = jax.random.key(seed)
    ks = jax.random.split(key, 8)
    hidden_states = jax.random.normal(ks[0], (1, 2048, D), dtype=jnp.float32)
    router_w = jax.random.normal(ks[1], (E, D), dtype=jnp.float32) * 0.02
    w_gate = jax.random.normal(ks[2], (E, DFF, D), dtype=jnp.float32) * 0.02
    w_up = jax.random.normal(ks[3], (E, DFF, D), dtype=jnp.float32) * 0.02
    w_down = jax.random.normal(ks[4], (E, D, DFF), dtype=jnp.float32) * 0.02
    s_gate = jax.random.normal(ks[5], (SDFF, D), dtype=jnp.float32) * 0.02
    s_up = jax.random.normal(ks[6], (SDFF, D), dtype=jnp.float32) * 0.02
    s_down = jax.random.normal(ks[7], (D, SDFF), dtype=jnp.float32) * 0.02
    return {
        'hidden_states': hidden_states,
        'router_w': router_w,
        'w_gate': w_gate,
        'w_up': w_up,
        'w_down': w_down,
        's_gate': s_gate,
        's_up': s_up,
        's_down': s_down,
    }


def reference(hidden_states, router_w, w_gate, w_up, w_down, s_gate, s_up, s_down):
    bsz, seq_len, h = hidden_states.shape
    x = hidden_states.reshape(-1, h)
    T = x.shape[0]
    # MoEGate: linear -> softmax -> topk -> normalize
    logits = x @ router_w.T
    scores = jax.nn.softmax(logits, axis=-1)
    topk_weight, topk_idx = jax.lax.top_k(scores, TOPK)
    denom = jnp.sum(topk_weight, axis=-1, keepdims=True) + 1e-20
    topk_weight = topk_weight / denom
    # combine matrix: combine[t, e] = routing weight of expert e for token t (0 if not selected)
    combine = jnp.zeros((T, E), dtype=x.dtype).at[jnp.arange(T)[:, None], topk_idx].add(topk_weight)
    # routed experts (dense equivalent of moe_infer: sum_e combine[:, e] * expert_e(x))
    y = jnp.zeros_like(x)
    for e in range(E):
        g = x @ w_gate[e].T
        u = x @ w_up[e].T
        out = (jax.nn.silu(g) * u) @ w_down[e].T
        y = y + combine[:, e:e + 1] * out
    # shared experts MLP on identity
    sg = x @ s_gate.T
    su = x @ s_up.T
    shared_out = (jax.nn.silu(sg) * su) @ s_down.T
    y = y + shared_out
    return y.reshape(bsz, seq_len, h)

if __name__ == "__main__":
    import jax
    _d = setup_inputs()
    print(jax.jit(kernel)(*tuple(_d.values())))

</pallas_src>

<mosaic_0001>
#map = affine_map<(d0, d1) -> (0, 0)>
#map1 = affine_map<(d0, d1) -> (0, 0, 0)>
module attributes {stable_mosaic.version = 14 : i64} {
  func.func @gather(%arg0: i32, %arg1: i32, %arg2: memref<6144x1024xf32, #tpu.memory_space<hbm>>, %arg3: memref<32x2x64xi32, #tpu.memory_space<hbm>>, %arg4: memref<4096x1024xf32, #tpu.memory_space<hbm>>, %arg5: memref<2x64xi32, #tpu.memory_space<vmem>>, %arg6: memref<64x1024xf32, #tpu.memory_space<vmem>>, %arg7: memref<!tpu.dma_semaphore, #tpu.memory_space<semaphore_mem>>) attributes {dimension_semantics = [#tpu.dimension_semantics<core_parallel>, #tpu.dimension_semantics<subcore_parallel>], iteration_bounds = array<i64: 2, 16>, scalar_prefetch = 0 : i64, scratch_operands = 3 : i64, tpu.core_type = #tpu.core_type<sc_vector_subcore>, window_params = [{transform_indices = #map}, {transform_indices = #map1}, {transform_indices = #map}]} {
    %mul3A = arith.constant 2 : i32
    %mul3A_0 = arith.muli %arg1, %mul3A : i32
    %add3A = arith.addi %mul3A_0, %arg0 : i32
    "tpu.region"() ({
      %run_scoped3A = tpu.sem_alloc : memref<!tpu.dma_semaphore, #tpu.memory_space<semaphore_mem>>
      %dma_start3A_35 = arith.constant 0 : i32
      %dma_start3A_36 = arith.constant 0 : i32
      %dma_start3A_37 = tpu.memref_slice %arg3[%add3A, %dma_start3A_35, %dma_start3A_36] : memref<32x2x64xi32, #tpu.memory_space<hbm>> -> memref<1x2x64xi32, #tpu.memory_space<hbm>>
      %dma_start3A_38 = tpu.memref_squeeze %dma_start3A_37 : memref<1x2x64xi32, #tpu.memory_space<hbm>> -> memref<2x64xi32, #tpu.memory_space<hbm>>
      %dma_start3A_39 = arith.constant 0 : i32
      %dma_start3A_40 = arith.constant 0 : i32
      %dma_start3A_41 = tpu.memref_slice %arg3[%add3A, %dma_start3A_39, %dma_start3A_40] : memref<32x2x64xi32, #tpu.memory_space<hbm>> -> memref<1x2x64xi32, #tpu.memory_space<hbm>>
      %dma_start3A_42 = tpu.memref_squeeze %dma_start3A_41 : memref<1x2x64xi32, #tpu.memory_space<hbm>> -> memref<2x64xi32, #tpu.memory_space<hbm>>
      tpu.enqueue_dma source(%dma_start3A_42 : memref<2x64xi32, #tpu.memory_space<hbm>>) target(%arg5 : memref<2x64xi32, #tpu.memory_space<vmem>>) target_semaphore(%run_scoped3A : memref<!tpu.dma_semaphore, #tpu.memory_space<semaphore_mem>>)
      %dma_wait3A_43 = arith.constant 0 : i32
      %dma_wait3A_44 = arith.constant 0 : i32
      %dma_wait3A_45 = tpu.memref_slice %arg3[%add3A, %dma_wait3A_43, %dma_wait3A_44] : memref<32x2x64xi32, #tpu.memory_space<hbm>> -> memref<1x2x64xi32, #tpu.memory_space<hbm>>
      %dma_wait3A_46 = tpu.memref_squeeze %dma_wait3A_45 : memref<1x2x64xi32, #tpu.memory_space<hbm>> -> memref<2x64xi32, #tpu.memory_space<hbm>>
      %dma_wait3A_47 = arith.constant 0 : i32
      %dma_wait3A_48 = arith.constant 0 : i32
      %dma_wait3A_49 = tpu.memref_slice %arg3[%add3A, %dma_wait3A_47, %dma_wait3A_48] : memref<32x2x64xi32, #tpu.memory_space<hbm>> -> memref<1x2x64xi32, #tpu.memory_space<hbm>>
      %dma_wait3A_50 = tpu.memref_squeeze %dma_wait3A_49 : memref<1x2x64xi32, #tpu.memory_space<hbm>> -> memref<2x64xi32, #tpu.memory_space<hbm>>
      tpu.wait_dma2 semaphore(%run_scoped3A : memref<!tpu.dma_semaphore, #tpu.memory_space<semaphore_mem>>) src(%dma_wait3A_50 : memref<2x64xi32, #tpu.memory_space<hbm>>) dst(%arg5 : memref<2x64xi32, #tpu.memory_space<vmem>>)
      tpu.yield
    }) : () -> ()
    %dma_start3A = arith.constant 0 : i32
    %dma_start3A_1 = arith.constant 0 : i32
    %dma_start3A_2 = tpu.memref_slice %arg5[%dma_start3A, %dma_start3A_1] : memref<2x64xi32, #tpu.memory_space<vmem>> -> memref<1x64xi32, #tpu.memory_space<vmem>>
    %dma_start3A_3 = tpu.memref_squeeze %dma_start3A_2 : memref<1x64xi32, #tpu.memory_space<vmem>> -> memref<64xi32, #tpu.memory_space<vmem>>
    %dma_start3A_4 = arith.constant 0 : i32
    %dma_start3A_5 = arith.constant 0 : i32
    %dma_start3A_6 = tpu.memref_slice %arg2[%dma_start3A_4, %dma_start3A_5] : memref<6144x1024xf32, #tpu.memory_space<hbm>> -> memref<6144x1024xf32, #tpu.memory_space<hbm>>
    tpu.enqueue_indirect_dma source(%dma_start3A_6 : memref<6144x1024xf32, #tpu.memory_space<hbm>>) target(%arg6 : memref<64x1024xf32, #tpu.memory_space<vmem>>) offsets(%dma_start3A_3 : memref<64xi32, #tpu.memory_space<vmem>>) semaphore(%arg7 : memref<!tpu.dma_semaphore, #tpu.memory_space<semaphore_mem>>)
    %dma_wait3A = arith.constant 0 : i32
    %dma_wait3A_7 = arith.constant 0 : i32
    %dma_wait3A_8 = tpu.memref_slice %arg5[%dma_wait3A, %dma_wait3A_7] : memref<2x64xi32, #tpu.memory_space<vmem>> -> memref<1x64xi32, #tpu.memory_space<vmem>>
    %dma_wait3A_9 = tpu.memref_squeeze %dma_wait3A_8 : memref<1x64xi32, #tpu.memory_space<vmem>> -> memref<64xi32, #tpu.memory_space<vmem>>
    %dma_wait3A_10 = arith.constant 0 : i32
    %dma_wait3A_11 = arith.constant 0 : i32
    %dma_wait3A_12 = tpu.memref_slice %arg2[%dma_wait3A_10, %dma_wait3A_11] : memref<6144x1024xf32, #tpu.memory_space<hbm>> -> memref<6144x1024xf32, #tpu.memory_space<hbm>>
    tpu.wait_indirect_dma semaphore(%arg7 : memref<!tpu.dma_semaphore, #tpu.memory_space<semaphore_mem>>) src(%dma_wait3A_12 : memref<6144x1024xf32, #tpu.memory_space<hbm>>) dst(%arg6 : memref<64x1024xf32, #tpu.memory_space<vmem>>)
    %mul3A_13 = arith.constant 128 : i32
    %mul3A_14 = arith.muli %add3A, %mul3A_13 : i32
    %add3A_15 = arith.constant 0 : i32
    %add3A_16 = arith.addi %mul3A_14, %add3A_15 : i32
    "tpu.region"() ({
      %run_scoped3A = tpu.sem_alloc : memref<!tpu.dma_semaphore, #tpu.memory_space<semaphore_mem>>
      %dma_start3A_35 = arith.constant 0 : i32
      %dma_start3A_36 = tpu.memref_slice %arg4[%add3A_16, %dma_start3A_35] : memref<4096x1024xf32, #tpu.memory_space<hbm>> -> memref<64x1024xf32, #tpu.memory_space<hbm>>
      %dma_start3A_37 = arith.constant 0 : i32
      %dma_start3A_38 = tpu.memref_slice %arg4[%add3A_16, %dma_start3A_37] : memref<4096x1024xf32, #tpu.memory_space<hbm>> -> memref<64x1024xf32, #tpu.memory_space<hbm>>
      tpu.enqueue_dma source(%arg6 : memref<64x1024xf32, #tpu.memory_space<vmem>>) target(%dma_start3A_38 : memref<64x1024xf32, #tpu.memory_space<hbm>>) target_semaphore(%run_scoped3A : memref<!tpu.dma_semaphore, #tpu.memory_space<semaphore_mem>>)
      %dma_wait3A_39 = arith.constant 0 : i32
      %dma_wait3A_40 = tpu.memref_slice %arg4[%add3A_16, %dma_wait3A_39] : memref<4096x1024xf32, #tpu.memory_space<hbm>> -> memref<64x1024xf32, #tpu.memory_space<hbm>>
      %dma_wait3A_41 = arith.constant 0 : i32
      %dma_wait3A_42 = tpu.memref_slice %arg4[%add3A_16, %dma_wait3A_41] : memref<4096x1024xf32, #tpu.memory_space<hbm>> -> memref<64x1024xf32, #tpu.memory_space<hbm>>
      tpu.wait_dma2 semaphore(%run_scoped3A : memref<!tpu.dma_semaphore, #tpu.memory_space<semaphore_mem>>) src(%arg6 : memref<64x1024xf32, #tpu.memory_space<vmem>>) dst(%dma_wait3A_42 : memref<64x1024xf32, #tpu.memory_space<hbm>>)
      tpu.yield
    }) : () -> ()
    %dma_start3A_17 = arith.constant 1 : i32
    %dma_start3A_18 = arith.constant 0 : i32
    %dma_start3A_19 = tpu.memref_slice %arg5[%dma_start3A_17, %dma_start3A_18] : memref<2x64xi32, #tpu.memory_space<vmem>> -> memref<1x64xi32, #tpu.memory_space<vmem>>
    %dma_start3A_20 = tpu.memref_squeeze %dma_start3A_19 : memref<1x64xi32, #tpu.memory_space<vmem>> -> memref<64xi32, #tpu.memory_space<vmem>>
    %dma_start3A_21 = arith.constant 0 : i32
    %dma_start3A_22 = arith.constant 0 : i32
    %dma_start3A_23 = tpu.memref_slice %arg2[%dma_start3A_21, %dma_start3A_22] : memref<6144x1024xf32, #tpu.memory_space<hbm>> -> memref<6144x1024xf32, #tpu.memory_space<hbm>>
    tpu.enqueue_indirect_dma source(%dma_start3A_23 : memref<6144x1024xf32, #tpu.memory_space<hbm>>) target(%arg6 : memref<64x1024xf32, #tpu.memory_space<vmem>>) offsets(%dma_start3A_20 : memref<64xi32, #tpu.memory_space<vmem>>) semaphore(%arg7 : memref<!tpu.dma_semaphore, #tpu.memory_space<semaphore_mem>>)
    %dma_wait3A_24 = arith.constant 1 : i32
    %dma_wait3A_25 = arith.constant 0 : i32
    %dma_wait3A_26 = tpu.memref_slice %arg5[%dma_wait3A_24, %dma_wait3A_25] : memref<2x64xi32, #tpu.memory_space<vmem>> -> memref<1x64xi32, #tpu.memory_space<vmem>>
    %dma_wait3A_27 = tpu.memref_squeeze %dma_wait3A_26 : memref<1x64xi32, #tpu.memory_space<vmem>> -> memref<64xi32, #tpu.memory_space<vmem>>
    %dma_wait3A_28 = arith.constant 0 : i32
    %dma_wait3A_29 = arith.constant 0 : i32
    %dma_wait3A_30 = tpu.memref_slice %arg2[%dma_wait3A_28, %dma_wait3A_29] : memref<6144x1024xf32, #tpu.memory_space<hbm>> -> memref<6144x1024xf32, #tpu.memory_space<hbm>>
    tpu.wait_indirect_dma semaphore(%arg7 : memref<!tpu.dma_semaphore, #tpu.memory_space<semaphore_mem>>) src(%dma_wait3A_30 : memref<6144x1024xf32, #tpu.memory_space<hbm>>) dst(%arg6 : memref<64x1024xf32, #tpu.memory_space<vmem>>)
    %mul3A_31 = arith.constant 128 : i32
    %mul3A_32 = arith.muli %add3A, %mul3A_31 : i32
    %add3A_33 = arith.constant 64 : i32
    %add3A_34 = arith.addi %mul3A_32, %add3A_33 : i32
    "tpu.region"() ({
      %run_scoped3A = tpu.sem_alloc : memref<!tpu.dma_semaphore, #tpu.memory_space<semaphore_mem>>
      %dma_start3A_35 = arith.constant 0 : i32
      %dma_start3A_36 = tpu.memref_slice %arg4[%add3A_34, %dma_start3A_35] : memref<4096x1024xf32, #tpu.memory_space<hbm>> -> memref<64x1024xf32, #tpu.memory_space<hbm>>
      %dma_start3A_37 = arith.constant 0 : i32
      %dma_start3A_38 = tpu.memref_slice %arg4[%add3A_34, %dma_start3A_37] : memref<4096x1024xf32, #tpu.memory_space<hbm>> -> memref<64x1024xf32, #tpu.memory_space<hbm>>
      tpu.enqueue_dma source(%arg6 : memref<64x1024xf32, #tpu.memory_space<vmem>>) target(%dma_start3A_38 : memref<64x1024xf32, #tpu.memory_space<hbm>>) target_semaphore(%run_scoped3A : memref<!tpu.dma_semaphore, #tpu.memory_space<semaphore_mem>>)
      %dma_wait3A_39 = arith.constant 0 : i32
      %dma_wait3A_40 = tpu.memref_slice %arg4[%add3A_34, %dma_wait3A_39] : memref<4096x1024xf32, #tpu.memory_space<hbm>> -> memref<64x1024xf32, #tpu.memory_space<hbm>>
      %dma_wait3A_41 = arith.constant 0 : i32
      %dma_wait3A_42 = tpu.memref_slice %arg4[%add3A_34, %dma_wait3A_41] : memref<4096x1024xf32, #tpu.memory_space<hbm>> -> memref<64x1024xf32, #tpu.memory_space<hbm>>
      tpu.wait_dma2 semaphore(%run_scoped3A : memref<!tpu.dma_semaphore, #tpu.memory_space<semaphore_mem>>) src(%arg6 : memref<64x1024xf32, #tpu.memory_space<vmem>>) dst(%dma_wait3A_42 : memref<64x1024xf32, #tpu.memory_space<hbm>>)
      tpu.yield
    }) : () -> ()
    return
  }
}

#map = affine_map<(d0, d1) -> (0, 0)>
#map1 = affine_map<(d0, d1) -> (0, 0, 0)>
module attributes {stable_mosaic.version = 14 : i64} {
  func.func @dispatch(%arg0: i32, %arg1: i32, %arg2: memref<2048x1024xf32, #tpu.memory_space<hbm>>, %arg3: memref<32x2x64xi32, #tpu.memory_space<hbm>>, %arg4: memref<32x2x64xi32, #tpu.memory_space<hbm>>, %arg5: memref<6144x1024xf32, #tpu.memory_space<hbm>>, %arg6: memref<2x64xi32, #tpu.memory_space<vmem>>, %arg7: memref<2x64xi32, #tpu.memory_space<vmem>>, %arg8: memref<64x1024xf32, #tpu.memory_space<vmem>>, %arg9: memref<!tpu.dma_semaphore, #tpu.memory_space<semaphore_mem>>, %arg10: memref<!tpu.dma_semaphore, #tpu.memory_space<semaphore_mem>>) attributes {dimension_semantics = [#tpu.dimension_semantics<core_parallel>, #tpu.dimension_semantics<subcore_parallel>], iteration_bounds = array<i64: 2, 16>, scalar_prefetch = 0 : i64, scratch_operands = 5 : i64, tpu.core_type = #tpu.core_type<sc_vector_subcore>, window_params = [{transform_indices = #map}, {transform_indices = #map1}, {transform_indices = #map1}, {transform_indices = #map}]} {
    %mul3A = arith.constant 2 : i32
    %mul3A_0 = arith.muli %arg1, %mul3A : i32
    %add3A = arith.addi %mul3A_0, %arg0 : i32
    "tpu.region"() ({
      %run_scoped3A = tpu.sem_alloc : memref<!tpu.dma_semaphore, #tpu.memory_space<semaphore_mem>>
      %dma_start3A_55 = arith.constant 0 : i32
      %dma_start3A_56 = arith.constant 0 : i32
      %dma_start3A_57 = tpu.memref_slice %arg3[%add3A, %dma_start3A_55, %dma_start3A_56] : memref<32x2x64xi32, #tpu.memory_space<hbm>> -> memref<1x2x64xi32, #tpu.memory_space<hbm>>
      %dma_start3A_58 = tpu.memref_squeeze %dma_start3A_57 : memref<1x2x64xi32, #tpu.memory_space<hbm>> -> memref<2x64xi32, #tpu.memory_space<hbm>>
      %dma_start3A_59 = arith.constant 0 : i32
      %dma_start3A_60 = arith.constant 0 : i32
      %dma_start3A_61 = tpu.memref_slice %arg3[%add3A, %dma_start3A_59, %dma_start3A_60] : memref<32x2x64xi32, #tpu.memory_space<hbm>> -> memref<1x2x64xi32, #tpu.memory_space<hbm>>
      %dma_start3A_62 = tpu.memref_squeeze %dma_start3A_61 : memref<1x2x64xi32, #tpu.memory_space<hbm>> -> memref<2x64xi32, #tpu.memory_space<hbm>>
      tpu.enqueue_dma source(%dma_start3A_62 : memref<2x64xi32, #tpu.memory_space<hbm>>) target(%arg6 : memref<2x64xi32, #tpu.memory_space<vmem>>) target_semaphore(%run_scoped3A : memref<!tpu.dma_semaphore, #tpu.memory_space<semaphore_mem>>)
      %dma_wait3A_63 = arith.constant 0 : i32
      %dma_wait3A_64 = arith.constant 0 : i32
      %dma_wait3A_65 = tpu.memref_slice %arg3[%add3A, %dma_wait3A_63, %dma_wait3A_64] : memref<32x2x64xi32, #tpu.memory_space<hbm>> -> memref<1x2x64xi32, #tpu.memory_space<hbm>>
      %dma_wait3A_66 = tpu.memref_squeeze %dma_wait3A_65 : memref<1x2x64xi32, #tpu.memory_space<hbm>> -> memref<2x64xi32, #tpu.memory_space<hbm>>
      %dma_wait3A_67 = arith.constant 0 : i32
      %dma_wait3A_68 = arith.constant 0 : i32
      %dma_wait3A_69 = tpu.memref_slice %arg3[%add3A, %dma_wait3A_67, %dma_wait3A_68] : memref<32x2x64xi32, #tpu.memory_space<hbm>> -> memref<1x2x64xi32, #tpu.memory_space<hbm>>
      %dma_wait3A_70 = tpu.memref_squeeze %dma_wait3A_69 : memref<1x2x64xi32, #tpu.memory_space<hbm>> -> memref<2x64xi32, #tpu.memory_space<hbm>>
      tpu.wait_dma2 semaphore(%run_scoped3A : memref<!tpu.dma_semaphore, #tpu.memory_space<semaphore_mem>>) src(%dma_wait3A_70 : memref<2x64xi32, #tpu.memory_space<hbm>>) dst(%arg6 : memref<2x64xi32, #tpu.memory_space<vmem>>)
      tpu.yield
    }) : () -> ()
    "tpu.region"() ({
      %run_scoped3A = tpu.sem_alloc : memref<!tpu.dma_semaphore, #tpu.memory_space<semaphore_mem>>
      %dma_start3A_55 = arith.constant 0 : i32
      %dma_start3A_56 = arith.constant 0 : i32
      %dma_start3A_57 = tpu.memref_slice %arg4[%add3A, %dma_start3A_55, %dma_start3A_56] : memref<32x2x64xi32, #tpu.memory_space<hbm>> -> memref<1x2x64xi32, #tpu.memory_space<hbm>>
      %dma_start3A_58 = tpu.memref_squeeze %dma_start3A_57 : memref<1x2x64xi32, #tpu.memory_space<hbm>> -> memref<2x64xi32, #tpu.memory_space<hbm>>
      %dma_start3A_59 = arith.constant 0 : i32
      %dma_start3A_60 = arith.constant 0 : i32
      %dma_start3A_61 = tpu.memref_slice %arg4[%add3A, %dma_start3A_59, %dma_start3A_60] : memref<32x2x64xi32, #tpu.memory_space<hbm>> -> memref<1x2x64xi32, #tpu.memory_space<hbm>>
      %dma_start3A_62 = tpu.memref_squeeze %dma_start3A_61 : memref<1x2x64xi32, #tpu.memory_space<hbm>> -> memref<2x64xi32, #tpu.memory_space<hbm>>
      tpu.enqueue_dma source(%dma_start3A_62 : memref<2x64xi32, #tpu.memory_space<hbm>>) target(%arg7 : memref<2x64xi32, #tpu.memory_space<vmem>>) target_semaphore(%run_scoped3A : memref<!tpu.dma_semaphore, #tpu.memory_space<semaphore_mem>>)
      %dma_wait3A_63 = arith.constant 0 : i32
      %dma_wait3A_64 = arith.constant 0 : i32
      %dma_wait3A_65 = tpu.memref_slice %arg4[%add3A, %dma_wait3A_63, %dma_wait3A_64] : memref<32x2x64xi32, #tpu.memory_space<hbm>> -> memref<1x2x64xi32, #tpu.memory_space<hbm>>
      %dma_wait3A_66 = tpu.memref_squeeze %dma_wait3A_65 : memref<1x2x64xi32, #tpu.memory_space<hbm>> -> memref<2x64xi32, #tpu.memory_space<hbm>>
      %dma_wait3A_67 = arith.constant 0 : i32
      %dma_wait3A_68 = arith.constant 0 : i32
      %dma_wait3A_69 = tpu.memref_slice %arg4[%add3A, %dma_wait3A_67, %dma_wait3A_68] : memref<32x2x64xi32, #tpu.memory_space<hbm>> -> memref<1x2x64xi32, #tpu.memory_space<hbm>>
      %dma_wait3A_70 = tpu.memref_squeeze %dma_wait3A_69 : memref<1x2x64xi32, #tpu.memory_space<hbm>> -> memref<2x64xi32, #tpu.memory_space<hbm>>
      tpu.wait_dma2 semaphore(%run_scoped3A : memref<!tpu.dma_semaphore, #tpu.memory_space<semaphore_mem>>) src(%dma_wait3A_70 : memref<2x64xi32, #tpu.memory_space<hbm>>) dst(%arg7 : memref<2x64xi32, #tpu.memory_space<vmem>>)
      tpu.yield
    }) : () -> ()
    %dma_start3A = arith.constant 0 : i32
    %dma_start3A_1 = arith.constant 0 : i32
    %dma_start3A_2 = tpu.memref_slice %arg6[%dma_start3A, %dma_start3A_1] : memref<2x64xi32, #tpu.memory_space<vmem>> -> memref<1x64xi32, #tpu.memory_space<vmem>>
    %dma_start3A_3 = tpu.memref_squeeze %dma_start3A_2 : memref<1x64xi32, #tpu.memory_space<vmem>> -> memref<64xi32, #tpu.memory_space<vmem>>
    %dma_start3A_4 = arith.constant 0 : i32
    %dma_start3A_5 = arith.constant 0 : i32
    %dma_start3A_6 = tpu.memref_slice %arg2[%dma_start3A_4, %dma_start3A_5] : memref<2048x1024xf32, #tpu.memory_space<hbm>> -> memref<2048x1024xf32, #tpu.memory_space<hbm>>
    tpu.enqueue_indirect_dma source(%dma_start3A_6 : memref<2048x1024xf32, #tpu.memory_space<hbm>>) target(%arg8 : memref<64x1024xf32, #tpu.memory_space<vmem>>) offsets(%dma_start3A_3 : memref<64xi32, #tpu.memory_space<vmem>>) semaphore(%arg9 : memref<!tpu.dma_semaphore, #tpu.memory_space<semaphore_mem>>)
    %dma_wait3A = arith.constant 0 : i32
    %dma_wait3A_7 = arith.constant 0 : i32
    %dma_wait3A_8 = tpu.memref_slice %arg6[%dma_wait3A, %dma_wait3A_7] : memref<2x64xi32, #tpu.memory_space<vmem>> -> memref<1x64xi32, #tpu.memory_space<vmem>>
    %dma_wait3A_9 = tpu.memref_squeeze %dma_wait3A_8 : memref<1x64xi32, #tpu.memory_space<vmem>> -> memref<64xi32, #tpu.memory_space<vmem>>
    %dma_wait3A_10 = arith.constant 0 : i32
    %dma_wait3A_11 = arith.constant 0 : i32
    %dma_wait3A_12 = tpu.memref_slice %arg2[%dma_wait3A_10, %dma_wait3A_11] : memref<2048x1024xf32, #tpu.memory_space<hbm>> -> memref<2048x1024xf32, #tpu.memory_space<hbm>>
    tpu.wait_indirect_dma semaphore(%arg9 : memref<!tpu.dma_semaphore, #tpu.memory_space<semaphore_mem>>) src(%dma_wait3A_12 : memref<2048x1024xf32, #tpu.memory_space<hbm>>) dst(%arg8 : memref<64x1024xf32, #tpu.memory_space<vmem>>)
    %dma_start3A_13 = arith.constant 0 : i32
    %dma_start3A_14 = arith.constant 0 : i32
    %dma_start3A_15 = tpu.memref_slice %arg7[%dma_start3A_13, %dma_start3A_14] : memref<2x64xi32, #tpu.memory_space<vmem>> -> memref<1x64xi32, #tpu.memory_space<vmem>>
    %dma_start3A_16 = tpu.memref_squeeze %dma_start3A_15 : memref<1x64xi32, #tpu.memory_space<vmem>> -> memref<64xi32, #tpu.memory_space<vmem>>
    %dma_start3A_17 = arith.constant 0 : i32
    %dma_start3A_18 = arith.constant 0 : i32
    %dma_start3A_19 = tpu.memref_slice %arg5[%dma_start3A_17, %dma_start3A_18] : memref<6144x1024xf32, #tpu.memory_space<hbm>> -> memref<6144x1024xf32, #tpu.memory_space<hbm>>
    tpu.enqueue_indirect_dma source(%arg8 : memref<64x1024xf32, #tpu.memory_space<vmem>>) target(%dma_start3A_19 : memref<6144x1024xf32, #tpu.memory_space<hbm>>) offsets(%dma_start3A_16 : memref<64xi32, #tpu.memory_space<vmem>>) semaphore(%arg10 : memref<!tpu.dma_semaphore, #tpu.memory_space<semaphore_mem>>)
    %dma_wait3A_20 = arith.constant 0 : i32
    %dma_wait3A_21 = arith.constant 0 : i32
    %dma_wait3A_22 = tpu.memref_slice %arg7[%dma_wait3A_20, %dma_wait3A_21] : memref<2x64xi32, #tpu.memory_space<vmem>> -> memref<1x64xi32, #tpu.memory_space<vmem>>
    %dma_wait3A_23 = tpu.memref_squeeze %dma_wait3A_22 : memref<1x64xi32, #tpu.memory_space<vmem>> -> memref<64xi32, #tpu.memory_space<vmem>>
    %dma_wait3A_24 = arith.constant 0 : i32
    %dma_wait3A_25 = arith.constant 0 : i32
    %dma_wait3A_26 = tpu.memref_slice %arg5[%dma_wait3A_24, %dma_wait3A_25] : memref<6144x1024xf32, #tpu.memory_space<hbm>> -> memref<6144x1024xf32, #tpu.memory_space<hbm>>
    tpu.wait_indirect_dma semaphore(%arg10 : memref<!tpu.dma_semaphore, #tpu.memory_space<semaphore_mem>>) src(%arg8 : memref<64x1024xf32, #tpu.memory_space<vmem>>) dst(%dma_wait3A_26 : memref<6144x1024xf32, #tpu.memory_space<hbm>>)
    %dma_start3A_27 = arith.constant 1 : i32
    %dma_start3A_28 = arith.constant 0 : i32
    %dma_start3A_29 = tpu.memref_slice %arg6[%dma_start3A_27, %dma_start3A_28] : memref<2x64xi32, #tpu.memory_space<vmem>> -> memref<1x64xi32, #tpu.memory_space<vmem>>
    %dma_start3A_30 = tpu.memref_squeeze %dma_start3A_29 : memref<1x64xi32, #tpu.memory_space<vmem>> -> memref<64xi32, #tpu.memory_space<vmem>>
    %dma_start3A_31 = arith.constant 0 : i32
    %dma_start3A_32 = arith.constant 0 : i32
    %dma_start3A_33 = tpu.memref_slice %arg2[%dma_start3A_31, %dma_start3A_32] : memref<2048x1024xf32, #tpu.memory_space<hbm>> -> memref<2048x1024xf32, #tpu.memory_space<hbm>>
    tpu.enqueue_indirect_dma source(%dma_start3A_33 : memref<2048x1024xf32, #tpu.memory_space<hbm>>) target(%arg8 : memref<64x1024xf32, #tpu.memory_space<vmem>>) offsets(%dma_start3A_30 : memref<64xi32, #tpu.memory_space<vmem>>) semaphore(%arg9 : memref<!tpu.dma_semaphore, #tpu.memory_space<semaphore_mem>>)
    %dma_wait3A_34 = arith.constant 1 : i32
    %dma_wait3A_35 = arith.constant 0 : i32
    %dma_wait3A_36 = tpu.memref_slice %arg6[%dma_wait3A_34, %dma_wait3A_35] : memref<2x64xi32, #tpu.memory_space<vmem>> -> memref<1x64xi32, #tpu.memory_space<vmem>>
    %dma_wait3A_37 = tpu.memref_squeeze %dma_wait3A_36 : memref<1x64xi32, #tpu.memory_space<vmem>> -> memref<64xi32, #tpu.memory_space<vmem>>
    %dma_wait3A_38 = arith.constant 0 : i32
    %dma_wait3A_39 = arith.constant 0 : i32
    %dma_wait3A_40 = tpu.memref_slice %arg2[%dma_wait3A_38, %dma_wait3A_39] : memref<2048x1024xf32, #tpu.memory_space<hbm>> -> memref<2048x1024xf32, #tpu.memory_space<hbm>>
    tpu.wait_indirect_dma semaphore(%arg9 : memref<!tpu.dma_semaphore, #tpu.memory_space<semaphore_mem>>) src(%dma_wait3A_40 : memref<2048x1024xf32, #tpu.memory_space<hbm>>) dst(%arg8 : memref<64x1024xf32, #tpu.memory_space<vmem>>)
    %dma_start3A_41 = arith.constant 1 : i32
    %dma_start3A_42 = arith.constant 0 : i32
    %dma_start3A_43 = tpu.memref_slice %arg7[%dma_start3A_41, %dma_start3A_42] : memref<2x64xi32, #tpu.memory_space<vmem>> -> memref<1x64xi32, #tpu.memory_space<vmem>>
    %dma_start3A_44 = tpu.memref_squeeze %dma_start3A_43 : memref<1x64xi32, #tpu.memory_space<vmem>> -> memref<64xi32, #tpu.memory_space<vmem>>
    %dma_start3A_45 = arith.constant 0 : i32
    %dma_start3A_46 = arith.constant 0 : i32
    %dma_start3A_47 = tpu.memref_slice %arg5[%dma_start3A_45, %dma_start3A_46] : memref<6144x1024xf32, #tpu.memory_space<hbm>> -> memref<6144x1024xf32, #tpu.memory_space<hbm>>
    tpu.enqueue_indirect_dma source(%arg8 : memref<64x1024xf32, #tpu.memory_space<vmem>>) target(%dma_start3A_47 : memref<6144x1024xf32, #tpu.memory_space<hbm>>) offsets(%dma_start3A_44 : memref<64xi32, #tpu.memory_space<vmem>>) semaphore(%arg10 : memref<!tpu.dma_semaphore, #tpu.memory_space<semaphore_mem>>)
    %dma_wait3A_48 = arith.constant 1 : i32
    %dma_wait3A_49 = arith.constant 0 : i32
    %dma_wait3A_50 = tpu.memref_slice %arg7[%dma_wait3A_48, %dma_wait3A_49] : memref<2x64xi32, #tpu.memory_space<vmem>> -> memref<1x64xi32, #tpu.memory_space<vmem>>
    %dma_wait3A_51 = tpu.memref_squeeze %dma_wait3A_50 : memref<1x64xi32, #tpu.memory_space<vmem>> -> memref<64xi32, #tpu.memory_space<vmem>>
    %dma_wait3A_52 = arith.constant 0 : i32
    %dma_wait3A_53 = arith.constant 0 : i32
    %dma_wait3A_54 = tpu.memref_slice %arg5[%dma_wait3A_52, %dma_wait3A_53] : memref<6144x1024xf32, #tpu.memory_space<hbm>> -> memref<6144x1024xf32, #tpu.memory_space<hbm>>
    tpu.wait_indirect_dma semaphore(%arg10 : memref<!tpu.dma_semaphore, #tpu.memory_space<semaphore_mem>>) src(%arg8 : memref<64x1024xf32, #tpu.memory_space<vmem>>) dst(%dma_wait3A_54 : memref<6144x1024xf32, #tpu.memory_space<hbm>>)
    return
  }
}

module attributes {stable_mosaic.version = 14 : i64} {
  func.func @_plan_body(%arg0: memref<2048x8xf32, #tpu.memory_space<vmem>>, %arg1: memref<2048x8xf32, #tpu.memory_space<vmem>>, %arg2: memref<32x128xi32, #tpu.memory_space<vmem>>, %arg3: memref<1x64xi32, #tpu.memory_space<vmem>>) attributes {dimension_semantics = [], scalar_prefetch = 0 : i64, scratch_operands = 0 : i64, tpu.core_type = #tpu.core_type<tc>} {
    %get3A = arith.constant 0 : index
    %get3A_0 = arith.constant 0 : index
    %get3A_1 = vector.load %arg0[%get3A, %get3A_0] : memref<2048x8xf32, #tpu.memory_space<vmem>>, vector<2048x8xf32>
    %reduce_max3A = arith.constant dense<0xFF800000> : vector<2048xf32>
    %reduce_max3A_2 = vector.multi_reduction <maximumf>, %get3A_1, %reduce_max3A [1] : vector<2048x8xf32> to vector<2048xf32>
    %broadcast_in_dim3A = vector.shape_cast %reduce_max3A_2 : vector<2048xf32> to vector<2048x1xf32>
    %sub3A = vector.broadcast %broadcast_in_dim3A : vector<2048x1xf32> to vector<2048x8xf32>
    %sub3A_3 = arith.subf %get3A_1, %sub3A : vector<2048x8xf32>
    %exp3A = math.exp %sub3A_3 : vector<2048x8xf32>
    %reduce_sum3A = arith.constant dense<0.000000e+00> : vector<2048xf32>
    %reduce_sum3A_4 = vector.multi_reduction <add>, %exp3A, %reduce_sum3A [1] : vector<2048x8xf32> to vector<2048xf32>
    %broadcast_in_dim3A_5 = vector.shape_cast %reduce_sum3A_4 : vector<2048xf32> to vector<2048x1xf32>
    %div3A = vector.broadcast %broadcast_in_dim3A_5 : vector<2048x1xf32> to vector<2048x8xf32>
    %div3A_6 = arith.divf %exp3A, %div3A : vector<2048x8xf32>
    %iota3A = tpu.iota {dimensions = array<i32: 1>} : vector<2048x8xi32>
    %convert_element_type3A = arith.sitofp %iota3A : vector<2048x8xi32> to vector<2048x8xf32>
    %reduce_max3A_7 = arith.constant dense<0xFF800000> : vector<2048xf32>
    %reduce_max3A_8 = vector.multi_reduction <maximumf>, %div3A_6, %reduce_max3A_7 [1] : vector<2048x8xf32> to vector<2048xf32>
    %broadcast_in_dim3A_9 = vector.shape_cast %reduce_max3A_8 : vector<2048xf32> to vector<2048x1xf32>
    %ge3A = vector.broadcast %broadcast_in_dim3A_9 : vector<2048x1xf32> to vector<2048x8xf32>
    %ge3A_10 = arith.cmpf oge, %div3A_6, %ge3A : vector<2048x8xf32>
    %jit3A = arith.constant 8.000000e+00 : f32
    %broadcast_in_dim3A_11 = vector.broadcast %jit3A : f32 to vector<2048x8xf32>
    %select_n3A = arith.select %ge3A_10, %convert_element_type3A, %broadcast_in_dim3A_11 : vector<2048x8xi1>, vector<2048x8xf32>
    %reduce_min3A = arith.constant dense<0x7F800000> : vector<2048xf32>
    %reduce_min3A_12 = vector.multi_reduction <minimumf>, %select_n3A, %reduce_min3A [1] : vector<2048x8xf32> to vector<2048xf32>
    %broadcast_in_dim3A_13 = vector.shape_cast %reduce_min3A_12 : vector<2048xf32> to vector<2048x1xf32>
    %eq3A = vector.broadcast %broadcast_in_dim3A_13 : vector<2048x1xf32> to vector<2048x8xf32>
    %eq3A_14 = arith.cmpf oeq, %convert_element_type3A, %eq3A : vector<2048x8xf32>
    %convert_element_type3A_15 = arith.extui %eq3A_14 : vector<2048x8xi1> to vector<2048x8xi32>
    %convert_element_type3A_16 = arith.sitofp %convert_element_type3A_15 : vector<2048x8xi32> to vector<2048x8xf32>
    %gt3A = arith.constant 0.000000e+00 : f32
    %gt3A_17 = vector.broadcast %gt3A : f32 to vector<2048x8xf32>
    %gt3A_18 = arith.cmpf ogt, %convert_element_type3A_16, %gt3A_17 : vector<2048x8xf32>
    %jit3A_19 = arith.constant 0xFF800000 : f32
    %broadcast_in_dim3A_20 = vector.broadcast %jit3A_19 : f32 to vector<2048x8xf32>
    %select_n3A_21 = arith.select %gt3A_18, %broadcast_in_dim3A_20, %div3A_6 : vector<2048x8xi1>, vector<2048x8xf32>
    %reduce_max3A_22 = arith.constant dense<0xFF800000> : vector<2048xf32>
    %reduce_max3A_23 = vector.multi_reduction <maximumf>, %select_n3A_21, %reduce_max3A_22 [1] : vector<2048x8xf32> to vector<2048xf32>
    %broadcast_in_dim3A_24 = vector.shape_cast %reduce_max3A_23 : vector<2048xf32> to vector<2048x1xf32>
    %ge3A_25 = vector.broadcast %broadcast_in_dim3A_24 : vector<2048x1xf32> to vector<2048x8xf32>
    %ge3A_26 = arith.cmpf oge, %select_n3A_21, %ge3A_25 : vector<2048x8xf32>
    %jit3A_27 = arith.constant 8.000000e+00 : f32
    %broadcast_in_dim3A_28 = vector.broadcast %jit3A_27 : f32 to vector<2048x8xf32>
    %select_n3A_29 = arith.select %ge3A_26, %convert_element_type3A, %broadcast_in_dim3A_28 : vector<2048x8xi1>, vector<2048x8xf32>
    %reduce_min3A_30 = arith.constant dense<0x7F800000> : vector<2048xf32>
    %reduce_min3A_31 = vector.multi_reduction <minimumf>, %select_n3A_29, %reduce_min3A_30 [1] : vector<2048x8xf32> to vector<2048xf32>
    %broadcast_in_dim3A_32 = vector.shape_cast %reduce_min3A_31 : vector<2048xf32> to vector<2048x1xf32>
    %eq3A_33 = vector.broadcast %broadcast_in_dim3A_32 : vector<2048x1xf32> to vector<2048x8xf32>
    %eq3A_34 = arith.cmpf oeq, %convert_element_type3A, %eq3A_33 : vector<2048x8xf32>
    %convert_element_type3A_35 = arith.extui %eq3A_34 : vector<2048x8xi1> to vector<2048x8xi32>
    %convert_element_type3A_36 = arith.sitofp %convert_element_type3A_35 : vector<2048x8xi32> to vector<2048x8xf32>
    %add3A = arith.addf %broadcast_in_dim3A_9, %broadcast_in_dim3A_24 : vector<2048x1xf32>
    %add3A_37 = arith.constant 9.99999968E-21 : f32
    %add3A_38 = vector.broadcast %add3A_37 : f32 to vector<2048x1xf32>
    %add3A_39 = arith.addf %add3A, %add3A_38 : vector<2048x1xf32>
    %div3A_40 = arith.divf %broadcast_in_dim3A_9, %add3A_39 : vector<2048x1xf32>
    %div3A_41 = arith.divf %broadcast_in_dim3A_24, %add3A_39 : vector<2048x1xf32>
    %broadcast_in_dim3A_42 = arith.constant 1.000000e+00 : f32
    %broadcast_in_dim3A_43 = vector.broadcast %broadcast_in_dim3A_42 : f32 to vector<2048x1xf32>
    %add3A_44 = arith.addf %convert_element_type3A_16, %convert_element_type3A_36 : vector<2048x8xf32>
    %dot_general3A = arith.constant dense<0.000000e+00> : vector<8x1xf32>
    %dot_general3A_45 = tpu.matmul %add3A_44, %broadcast_in_dim3A_43, %dot_general3A {dimension_numbers = #tpu.dot_dimension_numbers<[0], [0], [1], [1], [0, 1, 1, 1], [], []>, precision = #tpu.contract_precision<fp32>, transpose_lhs_hint = false} : vector<2048x8xf32>, vector<2048x1xf32>, vector<8x1xf32> -> vector<8x1xf32>
    %div3A_46 = arith.constant 2.560000e+02 : f32
    %div3A_47 = vector.broadcast %div3A_46 : f32 to vector<8x1xf32>
    %div3A_48 = arith.divf %dot_general3A_45, %div3A_47 : vector<8x1xf32>
    %ceil3A = math.ceil %div3A_48 : vector<8x1xf32>
    %mul3A = arith.constant 2.560000e+02 : f32
    %mul3A_49 = vector.broadcast %mul3A : f32 to vector<8x1xf32>
    %mul3A_50 = arith.mulf %ceil3A, %mul3A_49 : vector<8x1xf32>
    %iota3A_51 = tpu.iota {dimensions = array<i32: 1>} : vector<8x8xi32>
    %iota3A_52 = tpu.iota {dimensions = array<i32: 0>} : vector<8x8xi32>
    %lt3A = arith.cmpi slt, %iota3A_51, %iota3A_52 : vector<8x8xi32>
    %convert_element_type3A_53 = arith.extui %lt3A : vector<8x8xi1> to vector<8x8xi32>
    %convert_element_type3A_54 = arith.sitofp %convert_element_type3A_53 : vector<8x8xi32> to vector<8x8xf32>
    %dot_general3A_55 = arith.constant dense<0.000000e+00> : vector<8x1xf32>
    %dot_general3A_56 = tpu.matmul %convert_element_type3A_54, %mul3A_50, %dot_general3A_55 {dimension_numbers = #tpu.dot_dimension_numbers<[1], [0], [0], [1], [0, 0, 1, 1], [], []>, precision = #tpu.contract_precision<fp32>, transpose_lhs_hint = false} : vector<8x8xf32>, vector<8x1xf32>, vector<8x1xf32> -> vector<8x1xf32>
    %add3A_57 = arith.addf %dot_general3A_56, %mul3A_50 : vector<8x1xf32>
    %iota3A_58 = tpu.iota {dimensions = array<i32: 1>} : vector<2048x2048xi32>
    %iota3A_59 = tpu.iota {dimensions = array<i32: 0>} : vector<2048x2048xi32>
    %lt3A_60 = arith.cmpi slt, %iota3A_58, %iota3A_59 : vector<2048x2048xi32>
    %convert_element_type3A_61 = arith.extui %lt3A_60 : vector<2048x2048xi1> to vector<2048x2048xi32>
    %convert_element_type3A_62 = arith.sitofp %convert_element_type3A_61 : vector<2048x2048xi32> to vector<2048x2048xf32>
    %dot_general3A_63 = arith.constant dense<0.000000e+00> : vector<2048x8xf32>
    %dot_general3A_64 = tpu.matmul %convert_element_type3A_62, %convert_element_type3A_16, %dot_general3A_63 {dimension_numbers = #tpu.dot_dimension_numbers<[1], [0], [0], [1], [0, 0, 1, 1], [], []>, transpose_lhs_hint = false} : vector<2048x2048xf32>, vector<2048x8xf32>, vector<2048x8xf32> -> vector<2048x8xf32>
    %dot_general3A_65 = arith.constant dense<0.000000e+00> : vector<2048x8xf32>
    %dot_general3A_66 = tpu.matmul %convert_element_type3A_62, %convert_element_type3A_36, %dot_general3A_65 {dimension_numbers = #tpu.dot_dimension_numbers<[1], [0], [0], [1], [0, 0, 1, 1], [], []>, transpose_lhs_hint = false} : vector<2048x2048xf32>, vector<2048x8xf32>, vector<2048x8xf32> -> vector<2048x8xf32>
    %dot_general3A_67 = arith.constant dense<0.000000e+00> : vector<8x1xf32>
    %dot_general3A_68 = tpu.matmul %convert_element_type3A_16, %broadcast_in_dim3A_43, %dot_general3A_67 {dimension_numbers = #tpu.dot_dimension_numbers<[0], [0], [1], [1], [0, 1, 1, 1], [], []>, precision = #tpu.contract_precision<fp32>, transpose_lhs_hint = false} : vector<2048x8xf32>, vector<2048x1xf32>, vector<8x1xf32> -> vector<8x1xf32>
    %dot_general3A_69 = arith.constant dense<0.000000e+00> : vector<2048x8xf32>
    %dot_general3A_70 = tpu.matmul %broadcast_in_dim3A_43, %dot_general3A_56, %dot_general3A_69 {dimension_numbers = #tpu.dot_dimension_numbers<[1], [1], [0], [0], [0, 0, 1, 0], [], []>, precision = #tpu.contract_precision<fp32>, transpose_lhs_hint = false} : vector<2048x1xf32>, vector<8x1xf32>, vector<2048x8xf32> -> vector<2048x8xf32>
    %add3A_71 = arith.addf %dot_general3A_70, %dot_general3A_64 : vector<2048x8xf32>
    %mul3A_72 = arith.mulf %convert_element_type3A_16, %add3A_71 : vector<2048x8xf32>
    %reduce_sum3A_73 = arith.constant dense<0.000000e+00> : vector<2048xf32>
    %reduce_sum3A_74 = vector.multi_reduction <add>, %mul3A_72, %reduce_sum3A_73 [1] : vector<2048x8xf32> to vector<2048xf32>
    %broadcast_in_dim3A_75 = vector.shape_cast %reduce_sum3A_74 : vector<2048xf32> to vector<2048x1xf32>
    %dot_general3A_76 = arith.constant dense<0.000000e+00> : vector<2048x8xf32>
    %dot_general3A_77 = tpu.matmul %broadcast_in_dim3A_43, %dot_general3A_68, %dot_general3A_76 {dimension_numbers = #tpu.dot_dimension_numbers<[1], [1], [0], [0], [0, 0, 1, 0], [], []>, precision = #tpu.contract_precision<fp32>, transpose_lhs_hint = false} : vector<2048x1xf32>, vector<8x1xf32>, vector<2048x8xf32> -> vector<2048x8xf32>
    %add3A_78 = arith.addf %dot_general3A_70, %dot_general3A_77 : vector<2048x8xf32>
    %add3A_79 = arith.addf %add3A_78, %dot_general3A_66 : vector<2048x8xf32>
    %mul3A_80 = arith.mulf %convert_element_type3A_36, %add3A_79 : vector<2048x8xf32>
    %reduce_sum3A_81 = arith.constant dense<0.000000e+00> : vector<2048xf32>
    %reduce_sum3A_82 = vector.multi_reduction <add>, %mul3A_80, %reduce_sum3A_81 [1] : vector<2048x8xf32> to vector<2048xf32>
    %broadcast_in_dim3A_83 = vector.shape_cast %reduce_sum3A_82 : vector<2048xf32> to vector<2048x1xf32>
    %broadcast_in_dim3A_84 = arith.constant 0.000000e+00 : f32
    %broadcast_in_dim3A_85 = vector.broadcast %broadcast_in_dim3A_84 : f32 to vector<2048x8xf32>
    %eq3A_86 = arith.constant 0.000000e+00 : f32
    %eq3A_87 = vector.broadcast %eq3A_86 : f32 to vector<2048x8xf32>
    %eq3A_88 = arith.cmpf oeq, %convert_element_type3A, %eq3A_87 : vector<2048x8xf32>
    %broadcast_in_dim3A_89 = vector.shape_cast %div3A_40 : vector<2048x1xf32> to vector<2048x1xf32>
    %broadcast_in_dim3A_90 = vector.broadcast %broadcast_in_dim3A_89 : vector<2048x1xf32> to vector<2048x8xf32>
    %select_n3A_91 = arith.select %eq3A_88, %broadcast_in_dim3A_90, %broadcast_in_dim3A_85 : vector<2048x8xi1>, vector<2048x8xf32>
    %eq3A_92 = arith.constant 1.000000e+00 : f32
    %eq3A_93 = vector.broadcast %eq3A_92 : f32 to vector<2048x8xf32>
    %eq3A_94 = arith.cmpf oeq, %convert_element_type3A, %eq3A_93 : vector<2048x8xf32>
    %broadcast_in_dim3A_95 = vector.shape_cast %div3A_41 : vector<2048x1xf32> to vector<2048x1xf32>
    %broadcast_in_dim3A_96 = vector.broadcast %broadcast_in_dim3A_95 : vector<2048x1xf32> to vector<2048x8xf32>
    %select_n3A_97 = arith.select %eq3A_94, %broadcast_in_dim3A_96, %broadcast_in_dim3A_85 : vector<2048x8xi1>, vector<2048x8xf32>
    %add3A_98 = arith.addf %select_n3A_91, %select_n3A_97 : vector<2048x8xf32>
    %swap3A = arith.constant 0 : index
    %swap3A_99 = arith.constant 0 : index
    %swap3A_100 = vector.load %arg1[%swap3A, %swap3A_99] : memref<2048x8xf32, #tpu.memory_space<vmem>>, vector<2048x8xf32>
    tpu.vector_store %arg1[%swap3A, %swap3A_99], %add3A_98 {strides = array<i32>} : memref<2048x8xf32, #tpu.memory_space<vmem>>, vector<2048x8xf32>,
    %reshape3A = vector.shape_cast %broadcast_in_dim3A_75 : vector<2048x1xf32> to vector<16x128xf32>
    %reshape3A_101 = vector.shape_cast %broadcast_in_dim3A_83 : vector<2048x1xf32> to vector<16x128xf32>
    %concatenate3A = tpu.concatenate %reshape3A, %reshape3A_101 in 0 : vector<16x128xf32>, vector<16x128xf32> -> vector<32x128xf32>
    %convert_element_type3A_102 = arith.fptosi %concatenate3A : vector<32x128xf32> to vector<32x128xi32>
    %swap3A_103 = arith.constant 0 : index
    %swap3A_104 = arith.constant 0 : index
    %swap3A_105 = vector.load %arg2[%swap3A_103, %swap3A_104] : memref<32x128xi32, #tpu.memory_space<vmem>>, vector<32x128xi32>
    tpu.vector_store %arg2[%swap3A_103, %swap3A_104], %convert_element_type3A_102 {strides = array<i32>} : memref<32x128xi32, #tpu.memory_space<vmem>>, vector<32x128xi32>,
    %iota3A_106 = tpu.iota {dimensions = array<i32: 1>} : vector<1x64xi32>
    %convert_element_type3A_107 = arith.sitofp %iota3A_106 : vector<1x64xi32> to vector<1x64xf32>
    %mul3A_108 = arith.constant 2.560000e+02 : f32
    %mul3A_109 = vector.broadcast %mul3A_108 : f32 to vector<1x64xf32>
    %mul3A_110 = arith.mulf %convert_element_type3A_107, %mul3A_109 : vector<1x64xf32>
    %ge3A_111 = vector.broadcast %mul3A_110 : vector<1x64xf32> to vector<8x64xf32>
    %ge3A_112 = vector.broadcast %add3A_57 : vector<8x1xf32> to vector<8x64xf32>
    %ge3A_113 = arith.cmpf oge, %ge3A_111, %ge3A_112 : vector<8x64xf32>
    %convert_element_type3A_114 = arith.extui %ge3A_113 : vector<8x64xi1> to vector<8x64xi32>
    %convert_element_type3A_115 = arith.sitofp %convert_element_type3A_114 : vector<8x64xi32> to vector<8x64xf32>
    %reduce_sum3A_116 = arith.constant dense<0.000000e+00> : vector<64xf32>
    %reduce_sum3A_117 = vector.multi_reduction <add>, %convert_element_type3A_115, %reduce_sum3A_116 [0] : vector<8x64xf32> to vector<64xf32>
    %broadcast_in_dim3A_118 = vector.shape_cast %reduce_sum3A_117 : vector<64xf32> to vector<1x64xf32>
    %gt3A_119 = arith.constant 0.000000e+00 : f32
    %gt3A_120 = vector.broadcast %gt3A_119 : f32 to vector<8x1xf32>
    %gt3A_121 = arith.cmpf ogt, %dot_general3A_45, %gt3A_120 : vector<8x1xf32>
    %iota3A_122 = tpu.iota {dimensions = array<i32: 0>} : vector<8x1xi32>
    %convert_element_type3A_123 = arith.sitofp %iota3A_122 : vector<8x1xi32> to vector<8x1xf32>
    %jit3A_124 = arith.constant 0.000000e+00 : f32
    %broadcast_in_dim3A_125 = vector.broadcast %jit3A_124 : f32 to vector<8x1xf32>
    %select_n3A_126 = arith.select %gt3A_121, %convert_element_type3A_123, %broadcast_in_dim3A_125 : vector<8x1xi1>, vector<8x1xf32>
    %reduce_max3A_127 = vector.shape_cast %select_n3A_126 : vector<8x1xf32> to vector<1x8x1xf32>
    %reduce_max3A_128 = arith.constant dense<0xFF800000> : vector<1xf32>
    %reduce_max3A_129 = vector.multi_reduction <maximumf>, %reduce_max3A_127, %reduce_max3A_128 [1, 2] : vector<1x8x1xf32> to vector<1xf32>
    %reduce_max3A_130 = vector.shape_cast %reduce_max3A_129 : vector<1xf32> to vector<1x1x1xf32>
    %reduce_max3A_131 = vector.extract %reduce_max3A_130[0, 0, 0] : f32 from vector<1x1x1xf32>
    %reduce_sum3A_132 = vector.shape_cast %mul3A_50 : vector<8x1xf32> to vector<1x8x1xf32>
    %reduce_sum3A_133 = arith.constant dense<0.000000e+00> : vector<1xf32>
    %reduce_sum3A_134 = vector.multi_reduction <add>, %reduce_sum3A_132, %reduce_sum3A_133 [1, 2] : vector<1x8x1xf32> to vector<1xf32>
    %reduce_sum3A_135 = vector.shape_cast %reduce_sum3A_134 : vector<1xf32> to vector<1x1x1xf32>
    %reduce_sum3A_136 = vector.extract %reduce_sum3A_135[0, 0, 0] : f32 from vector<1x1x1xf32>
    %div3A_137 = arith.constant 2.560000e+02 : f32
    %div3A_138 = arith.divf %reduce_sum3A_136, %div3A_137 : f32
    %min3A = vector.broadcast %reduce_max3A_131 : f32 to vector<1x64xf32>
    %min3A_139 = arith.minimumf %broadcast_in_dim3A_118, %min3A : vector<1x64xf32>
    %iota3A_140 = tpu.iota {dimensions = array<i32: 1>} : vector<1x64xi32>
    %convert_element_type3A_141 = arith.sitofp %iota3A_140 : vector<1x64xi32> to vector<1x64xf32>
    %eq3A_142 = arith.constant 2.400000e+01 : f32
    %eq3A_143 = vector.broadcast %eq3A_142 : f32 to vector<1x64xf32>
    %eq3A_144 = arith.cmpf oeq, %convert_element_type3A_141, %eq3A_143 : vector<1x64xf32>
    %broadcast_in_dim3A_145 = vector.broadcast %div3A_138 : f32 to vector<1x64xf32>
    %select_n3A_146 = arith.select %eq3A_144, %broadcast_in_dim3A_145, %min3A_139 : vector<1x64xi1>, vector<1x64xf32>
    %convert_element_type3A_147 = arith.fptosi %select_n3A_146 : vector<1x64xf32> to vector<1x64xi32>
    %swap3A_148 = arith.constant 0 : index
    %swap3A_149 = arith.constant 0 : index
    %swap3A_150 = vector.load %arg3[%swap3A_148, %swap3A_149] : memref<1x64xi32, #tpu.memory_space<vmem>>, vector<1x64xi32>
    tpu.vector_store %arg3[%swap3A_148, %swap3A_149], %convert_element_type3A_147 {strides = array<i32>} : memref<1x64xi32, #tpu.memory_space<vmem>>, vector<1x64xi32>,
    return
  }
}

module attributes {stable_mosaic.version = 14 : i64} {
  func.func @_gffn_body(%arg0: i32, %arg1: memref<25xi32, #tpu.memory_space<smem>>, %arg2: memref<256x1024xf32, #tpu.memory_space<vmem>>, %arg3: memref<1x1024x1024xf32, #tpu.memory_space<vmem>>, %arg4: memref<1x1024x1024xf32, #tpu.memory_space<vmem>>, %arg5: memref<1x1024x1024xf32, #tpu.memory_space<vmem>>, %arg6: memref<256x1024xf32, #tpu.memory_space<vmem>>) attributes {dimension_semantics = [#tpu.dimension_semantics<arbitrary>], iteration_bounds = array<i64: 24>, scalar_prefetch = 1 : i64, scratch_operands = 0 : i64, tpu.core_type = #tpu.core_type<tc>, window_params = [{transform_indices = @transform_0, window_bounds = array<i64: 256, 1024>}, {transform_indices = @transform_1, window_bounds = array<i64: 1, 1024, 1024>}, {transform_indices = @transform_2, window_bounds = array<i64: 1, 1024, 1024>}, {transform_indices = @transform_3, window_bounds = array<i64: 1, 1024, 1024>}, {transform_indices = @transform_4, window_bounds = array<i64: 256, 1024>}]} {
    %get3A = arith.constant 24 : index
    %get3A_0 = memref.load %arg1[%get3A] : memref<25xi32, #tpu.memory_space<smem>>
    %lt3A = arith.cmpi slt, %arg0, %get3A_0 : i32
    %convert_element_type3A = arith.extui %lt3A : i1 to i32
    %cond3A = arith.constant 0 : i32
    %cond3A_1 = arith.cmpi ne, %convert_element_type3A, %cond3A : i32
    scf.if %cond3A_1 {
      %get3A_2 = arith.constant 0 : index
      %get3A_3 = arith.constant 0 : index
      %get3A_4 = vector.load %arg2[%get3A_2, %get3A_3] : memref<256x1024xf32, #tpu.memory_space<vmem>>, vector<256x1024xf32>
      %get3A_5 = arith.constant 0 : index
      %get3A_6 = arith.constant 0 : index
      %get3A_7 = arith.constant 0 : index
      %get3A_8 = vector.load %arg3[%get3A_5, %get3A_6, %get3A_7] : memref<1x1024x1024xf32, #tpu.memory_space<vmem>>, vector<1x1024x1024xf32>
      %get3A_9 = vector.shape_cast %get3A_8 : vector<1x1024x1024xf32> to vector<1024x1024xf32>
      %dot_general3A = arith.constant dense<0.000000e+00> : vector<256x1024xf32>
      %dot_general3A_10 = tpu.matmul %get3A_4, %get3A_9, %dot_general3A {dimension_numbers = #tpu.dot_dimension_numbers<[1], [1], [0], [0], [0, 0, 1, 0], [], []>, transpose_lhs_hint = false} : vector<256x1024xf32>, vector<1024x1024xf32>, vector<256x1024xf32> -> vector<256x1024xf32>
      %get3A_11 = arith.constant 0 : index
      %get3A_12 = arith.constant 0 : index
      %get3A_13 = arith.constant 0 : index
      %get3A_14 = vector.load %arg4[%get3A_11, %get3A_12, %get3A_13] : memref<1x1024x1024xf32, #tpu.memory_space<vmem>>, vector<1x1024x1024xf32>
      %get3A_15 = vector.shape_cast %get3A_14 : vector<1x1024x1024xf32> to vector<1024x1024xf32>
      %dot_general3A_16 = arith.constant dense<0.000000e+00> : vector<256x1024xf32>
      %dot_general3A_17 = tpu.matmul %get3A_4, %get3A_15, %dot_general3A_16 {dimension_numbers = #tpu.dot_dimension_numbers<[1], [1], [0], [0], [0, 0, 1, 0], [], []>, transpose_lhs_hint = false} : vector<256x1024xf32>, vector<1024x1024xf32>, vector<256x1024xf32> -> vector<256x1024xf32>
      %logistic3A = arith.negf %dot_general3A_10 : vector<256x1024xf32>
      %logistic3A_18 = math.exp %logistic3A : vector<256x1024xf32>
      %logistic3A_19 = arith.constant 1.000000e+00 : f32
      %logistic3A_20 = vector.broadcast %logistic3A_19 : f32 to vector<256x1024xf32>
      %logistic3A_21 = arith.addf %logistic3A_20, %logistic3A_18 : vector<256x1024xf32>
      %logistic3A_22 = arith.divf %logistic3A_20, %logistic3A_21 : vector<256x1024xf32>
      %mul3A = arith.mulf %dot_general3A_10, %logistic3A_22 : vector<256x1024xf32>
      %mul3A_23 = arith.mulf %mul3A, %dot_general3A_17 : vector<256x1024xf32>
      %get3A_24 = arith.constant 0 : index
      %get3A_25 = arith.constant 0 : index
      %get3A_26 = arith.constant 0 : index
      %get3A_27 = vector.load %arg5[%get3A_24, %get3A_25, %get3A_26] : memref<1x1024x1024xf32, #tpu.memory_space<vmem>>, vector<1x1024x1024xf32>
      %get3A_28 = vector.shape_cast %get3A_27 : vector<1x1024x1024xf32> to vector<1024x1024xf32>
      %dot_general3A_29 = arith.constant dense<0.000000e+00> : vector<256x1024xf32>
      %dot_general3A_30 = tpu.matmul %mul3A_23, %get3A_28, %dot_general3A_29 {dimension_numbers = #tpu.dot_dimension_numbers<[1], [1], [0], [0], [0, 0, 1, 0], [], []>, transpose_lhs_hint = false} : vector<256x1024xf32>, vector<1024x1024xf32>, vector<256x1024xf32> -> vector<256x1024xf32>
      %swap3A = arith.constant 0 : index
      %swap3A_31 = arith.constant 0 : index
      %swap3A_32 = vector.load %arg6[%swap3A, %swap3A_31] : memref<256x1024xf32, #tpu.memory_space<vmem>>, vector<256x1024xf32>
      tpu.vector_store %arg6[%swap3A, %swap3A_31], %dot_general3A_30 {strides = array<i32>} : memref<256x1024xf32, #tpu.memory_space<vmem>>, vector<256x1024xf32>,
    } else {
    }
    return
  }
  func.func @transform_0(%arg0: i32, %arg1: memref<25xi32, #tpu.memory_space<smem>>) -> (i32, i32) {
    %c0_i32 = arith.constant 0 : i32
    %c0_i32_0 = arith.constant 0 : i32
    return %arg0, %c0_i32 : i32, i32
  }
  func.func @transform_1(%arg0: i32, %arg1: memref<25xi32, #tpu.memory_space<smem>>) -> (i32, i32, i32) {
    %get3A = arith.index_cast %arg0 : i32 to index
    %get3A_0 = memref.load %arg1[%get3A] : memref<25xi32, #tpu.memory_space<smem>>
    %c0_i32 = arith.constant 0 : i32
    %c0_i32_1 = arith.constant 0 : i32
    %c0_i32_2 = arith.constant 0 : i32
    return %get3A_0, %c0_i32, %c0_i32_1 : i32, i32, i32
  }
  func.func @transform_2(%arg0: i32, %arg1: memref<25xi32, #tpu.memory_space<smem>>) -> (i32, i32, i32) {
    %get3A = arith.index_cast %arg0 : i32 to index
    %get3A_0 = memref.load %arg1[%get3A] : memref<25xi32, #tpu.memory_space<smem>>
    %c0_i32 = arith.constant 0 : i32
    %c0_i32_1 = arith.constant 0 : i32
    %c0_i32_2 = arith.constant 0 : i32
    return %get3A_0, %c0_i32, %c0_i32_1 : i32, i32, i32
  }
  func.func @transform_3(%arg0: i32, %arg1: memref<25xi32, #tpu.memory_space<smem>>) -> (i32, i32, i32) {
    %get3A = arith.index_cast %arg0 : i32 to index
    %get3A_0 = memref.load %arg1[%get3A] : memref<25xi32, #tpu.memory_space<smem>>
    %c0_i32 = arith.constant 0 : i32
    %c0_i32_1 = arith.constant 0 : i32
    %c0_i32_2 = arith.constant 0 : i32
    return %get3A_0, %c0_i32, %c0_i32_1 : i32, i32, i32
  }
  func.func @transform_4(%arg0: i32, %arg1: memref<25xi32, #tpu.memory_space<smem>>) -> (i32, i32) {
    %c0_i32 = arith.constant 0 : i32
    %c0_i32_0 = arith.constant 0 : i32
    return %arg0, %c0_i32 : i32, i32
  }
}

module attributes {stable_mosaic.version = 14 : i64} {
  func.func @_sffn_body(%arg0: i32, %arg1: memref<512x1024xf32, #tpu.memory_space<vmem>>, %arg2: memref<2048x1024xf32, #tpu.memory_space<vmem>>, %arg3: memref<2048x1024xf32, #tpu.memory_space<vmem>>, %arg4: memref<1024x2048xf32, #tpu.memory_space<vmem>>, %arg5: memref<512x1024xf32, #tpu.memory_space<vmem>>) attributes {dimension_semantics = [#tpu.dimension_semantics<arbitrary>], iteration_bounds = array<i64: 4>, scalar_prefetch = 0 : i64, scratch_operands = 0 : i64, tpu.core_type = #tpu.core_type<tc>, window_params = [{transform_indices = @transform_0, window_bounds = array<i64: 512, 1024>}, {pipeline_mode = #tpu.pipeline_mode<synchronous>, transform_indices = @transform_1, window_bounds = array<i64: 2048, 1024>}, {pipeline_mode = #tpu.pipeline_mode<synchronous>, transform_indices = @transform_2, window_bounds = array<i64: 2048, 1024>}, {pipeline_mode = #tpu.pipeline_mode<synchronous>, transform_indices = @transform_3, window_bounds = array<i64: 1024, 2048>}, {transform_indices = @transform_4, window_bounds = array<i64: 512, 1024>}]} {
    %get3A = arith.constant 0 : index
    %get3A_0 = arith.constant 0 : index
    %get3A_1 = vector.load %arg1[%get3A, %get3A_0] : memref<512x1024xf32, #tpu.memory_space<vmem>>, vector<512x1024xf32>
    %get3A_2 = arith.constant 0 : index
    %get3A_3 = arith.constant 0 : index
    %get3A_4 = vector.load %arg2[%get3A_2, %get3A_3] : memref<2048x1024xf32, #tpu.memory_space<vmem>>, vector<2048x1024xf32>
    %dot_general3A = arith.constant dense<0.000000e+00> : vector<512x2048xf32>
    %dot_general3A_5 = tpu.matmul %get3A_1, %get3A_4, %dot_general3A {dimension_numbers = #tpu.dot_dimension_numbers<[1], [1], [0], [0], [0, 0, 1, 0], [], []>, transpose_lhs_hint = false} : vector<512x1024xf32>, vector<2048x1024xf32>, vector<512x2048xf32> -> vector<512x2048xf32>
    %get3A_6 = arith.constant 0 : index
    %get3A_7 = arith.constant 0 : index
    %get3A_8 = vector.load %arg3[%get3A_6, %get3A_7] : memref<2048x1024xf32, #tpu.memory_space<vmem>>, vector<2048x1024xf32>
    %dot_general3A_9 = arith.constant dense<0.000000e+00> : vector<512x2048xf32>
    %dot_general3A_10 = tpu.matmul %get3A_1, %get3A_8, %dot_general3A_9 {dimension_numbers = #tpu.dot_dimension_numbers<[1], [1], [0], [0], [0, 0, 1, 0], [], []>, transpose_lhs_hint = false} : vector<512x1024xf32>, vector<2048x1024xf32>, vector<512x2048xf32> -> vector<512x2048xf32>
    %logistic3A = arith.negf %dot_general3A_5 : vector<512x2048xf32>
    %logistic3A_11 = math.exp %logistic3A : vector<512x2048xf32>
    %logistic3A_12 = arith.constant 1.000000e+00 : f32
    %logistic3A_13 = vector.broadcast %logistic3A_12 : f32 to vector<512x2048xf32>
    %logistic3A_14 = arith.addf %logistic3A_13, %logistic3A_11 : vector<512x2048xf32>
    %logistic3A_15 = arith.divf %logistic3A_13, %logistic3A_14 : vector<512x2048xf32>
    %mul3A = arith.mulf %dot_general3A_5, %logistic3A_15 : vector<512x2048xf32>
    %mul3A_16 = arith.mulf %mul3A, %dot_general3A_10 : vector<512x2048xf32>
    %get3A_17 = arith.constant 0 : index
    %get3A_18 = arith.constant 0 : index
    %get3A_19 = vector.load %arg4[%get3A_17, %get3A_18] : memref<1024x2048xf32, #tpu.memory_space<vmem>>, vector<1024x2048xf32>
    %dot_general3A_20 = arith.constant dense<0.000000e+00> : vector<512x1024xf32>
    %dot_general3A_21 = tpu.matmul %mul3A_16, %get3A_19, %dot_general3A_20 {dimension_numbers = #tpu.dot_dimension_numbers<[1], [1], [0], [0], [0, 0, 1, 0], [], []>, transpose_lhs_hint = false} : vector<512x2048xf32>, vector<1024x2048xf32>, vector<512x1024xf32> -> vector<512x1024xf32>
    %swap3A = arith.constant 0 : index
    %swap3A_22 = arith.constant 0 : index
    %swap3A_23 = vector.load %arg5[%swap3A, %swap3A_22] : memref<512x1024xf32, #tpu.memory_space<vmem>>, vector<512x1024xf32>
    tpu.vector_store %arg5[%swap3A, %swap3A_22], %dot_general3A_21 {strides = array<i32>} : memref<512x1024xf32, #tpu.memory_space<vmem>>, vector<512x1024xf32>,
    return
  }
  func.func @transform_0(%arg0: i32) -> (i32, i32) {
    %c0_i32 = arith.constant 0 : i32
    %c0_i32_0 = arith.constant 0 : i32
    return %arg0, %c0_i32 : i32, i32
  }
  func.func @transform_1(%arg0: i32) -> (i32, i32) {
    %c0_i32 = arith.constant 0 : i32
    %c0_i32_0 = arith.constant 0 : i32
    %c0_i32_1 = arith.constant 0 : i32
    return %c0_i32, %c0_i32_0 : i32, i32
  }
  func.func @transform_2(%arg0: i32) -> (i32, i32) {
    %c0_i32 = arith.constant 0 : i32
    %c0_i32_0 = arith.constant 0 : i32
    %c0_i32_1 = arith.constant 0 : i32
    return %c0_i32, %c0_i32_0 : i32, i32
  }
  func.func @transform_3(%arg0: i32) -> (i32, i32) {
    %c0_i32 = arith.constant 0 : i32
    %c0_i32_0 = arith.constant 0 : i32
    %c0_i32_1 = arith.constant 0 : i32
    return %c0_i32, %c0_i32_0 : i32, i32
  }
  func.func @transform_4(%arg0: i32) -> (i32, i32) {
    %c0_i32 = arith.constant 0 : i32
    %c0_i32_0 = arith.constant 0 : i32
    return %arg0, %c0_i32 : i32, i32
  }
}

module attributes {stable_mosaic.version = 14 : i64} {
  func.func @_cmb_body(%arg0: i32, %arg1: memref<512x8xf32, #tpu.memory_space<vmem>>, %arg2: memref<512x1024xf32, #tpu.memory_space<vmem>>, %arg3: memref<512x1024xf32, #tpu.memory_space<vmem>>, %arg4: memref<512x1024xf32, #tpu.memory_space<vmem>>, %arg5: memref<512x1024xf32, #tpu.memory_space<vmem>>) attributes {dimension_semantics = [#tpu.dimension_semantics<parallel>], iteration_bounds = array<i64: 4>, scalar_prefetch = 0 : i64, scratch_operands = 0 : i64, tpu.core_type = #tpu.core_type<tc>, window_params = [{transform_indices = @transform_0, window_bounds = array<i64: 512, 8>}, {transform_indices = @transform_1, window_bounds = array<i64: 512, 1024>}, {transform_indices = @transform_2, window_bounds = array<i64: 512, 1024>}, {transform_indices = @transform_3, window_bounds = array<i64: 512, 1024>}, {transform_indices = @transform_4, window_bounds = array<i64: 512, 1024>}]} {
    %get3A = arith.constant 0 : index
    %get3A_0 = arith.constant 0 : index
    %get3A_1 = vector.load %arg1[%get3A, %get3A_0] : memref<512x8xf32, #tpu.memory_space<vmem>>, vector<512x1xf32>
    %get3A_2 = arith.constant 0 : index
    %get3A_3 = arith.constant 1 : index
    %get3A_4 = vector.load %arg1[%get3A_2, %get3A_3] : memref<512x8xf32, #tpu.memory_space<vmem>>, vector<512x1xf32>
    %get3A_5 = arith.constant 0 : index
    %get3A_6 = arith.constant 0 : index
    %get3A_7 = vector.load %arg2[%get3A_5, %get3A_6] : memref<512x1024xf32, #tpu.memory_space<vmem>>, vector<512x1024xf32>
    %get3A_8 = arith.constant 0 : index
    %get3A_9 = arith.constant 0 : index
    %get3A_10 = vector.load %arg3[%get3A_8, %get3A_9] : memref<512x1024xf32, #tpu.memory_space<vmem>>, vector<512x1024xf32>
    %mul3A = vector.broadcast %get3A_1 : vector<512x1xf32> to vector<512x1024xf32>
    %mul3A_11 = arith.mulf %mul3A, %get3A_10 : vector<512x1024xf32>
    %add3A = arith.addf %get3A_7, %mul3A_11 : vector<512x1024xf32>
    %get3A_12 = arith.constant 0 : index
    %get3A_13 = arith.constant 0 : index
    %get3A_14 = vector.load %arg4[%get3A_12, %get3A_13] : memref<512x1024xf32, #tpu.memory_space<vmem>>, vector<512x1024xf32>
    %mul3A_15 = vector.broadcast %get3A_4 : vector<512x1xf32> to vector<512x1024xf32>
    %mul3A_16 = arith.mulf %mul3A_15, %get3A_14 : vector<512x1024xf32>
    %add3A_17 = arith.addf %add3A, %mul3A_16 : vector<512x1024xf32>
    %swap3A = arith.constant 0 : index
    %swap3A_18 = arith.constant 0 : index
    %swap3A_19 = vector.load %arg5[%swap3A, %swap3A_18] : memref<512x1024xf32, #tpu.memory_space<vmem>>, vector<512x1024xf32>
    tpu.vector_store %arg5[%swap3A, %swap3A_18], %add3A_17 {strides = array<i32>} : memref<512x1024xf32, #tpu.memory_space<vmem>>, vector<512x1024xf32>,
    return
  }
  func.func @transform_0(%arg0: i32) -> (i32, i32) {
    %c0_i32 = arith.constant 0 : i32
    %c0_i32_0 = arith.constant 0 : i32
    return %arg0, %c0_i32 : i32, i32
  }
  func.func @transform_1(%arg0: i32) -> (i32, i32) {
    %c0_i32 = arith.constant 0 : i32
    %c0_i32_0 = arith.constant 0 : i32
    return %arg0, %c0_i32 : i32, i32
  }
  func.func @transform_2(%arg0: i32) -> (i32, i32) {
    %c0_i32 = arith.constant 0 : i32
    %c0_i32_0 = arith.constant 0 : i32
    return %arg0, %c0_i32 : i32, i32
  }
  func.func @transform_3(%arg0: i32) -> (i32, i32) {
    %c0_i32 = arith.constant 0 : i32
    %c0_i32_0 = arith.constant 0 : i32
    return %arg0, %c0_i32 : i32, i32
  }
  func.func @transform_4(%arg0: i32) -> (i32, i32) {
    %c0_i32 = arith.constant 0 : i32
    %c0_i32_0 = arith.constant 0 : i32
    return %arg0, %c0_i32 : i32, i32
  }
}

</mosaic_0001>

<sc_bundles>
// kernel: kernel.11.cloned.1.call-start
scs
__scs_entry_jumppad:
0x0: {  	(pc) =	sbr.rel $0x88, $3  }
0x1: {  	(tag) =	ssettag $0x0;
	lr =	simm.s32 $0x1  }
0x2: {  	[smem:$0x3F99] =	sst lr;
	_ =	strace $0xD0000000  }
0x3: {  	_ = 	snop  }
0x4: {  	_ = 	snop  }
0x5: {  	_ = 	snop  }
0x6: {  	_ = 	snop  }
0x7: {  	_ = 	snop  }
__scs_overlays_trampoline_lowered:
0x8: {  	[smem:$0x3FA8] =	sst s0  }
0x9: {  	[smem:$0x3FA9] =	sst s1  }
0xa: {  	[smem:$0x3FAA] =	sst s2  }
0xb: {  	[smem:$0x3FAB] =	sst s3  }
0xc: {  	[smem:$0x3FAC] =	sst s4  }
0xd: {  	[smem:$0x3FAD] =	sst s5  }
0xe: {  	[smem:$0x3FAE] =	sst s6  }
0xf: {  	[smem:$0x3FAF] =	sst s7  }
0x10: {  	[smem:$0x3FB0] =	sst s8  }
0x11: {  	[smem:$0x3FB1] =	sst s9;
	s0 =	simm.s32 @!p0 $0x0  }
0x12: {  	s1 =	sld [smem:$0x3F97];
	s0 =	simm.s32 @p0 $0x1  }
0x13: {  	[smem:$0x3FB2] =	sst s0;
	s0 =	simm.s32 @!p1 $0x0  }
0x14: {  	s2 =	sld [smem:$0x3F96];
	s0 =	simm.s32 @p1 $0x1  }
0x15: {  	[smem:$0x3FB3] =	sst s0;
	s0 =	simm.s32 @!p2 $0x0  }
0x16: {  	s3 =	sld [smem:$0x3FDB];
	s0 =	simm.s32 @p2 $0x1  }
0x17: {  	s4 =	simm.s32 $0x1BF5;
	[smem:$0x3FB5] =	sst s0  }
0x18: {  	s0 =	sld [smem:$0x3F98];
	_ =	swait.ge [sflag:s4], $0x0  }
0x19: {  	s7 =	sld [smem:$0x3F99]  }
0x1a: {  	s8 =	sadd.s32 $0xFFFFE003, lr  }
0x1b: {  	s9 =	sadd.s32 $0xFFFFFEF7, lr;
	s5 =	simm.s32 $0xFFFFFFFF;
	p2 =	slt.u32 s8, $0xFFFFF086  }
0x1c: {  	p1 =	slt.u32 s9, $0xF7A;
	s5 =	simm.s32 @!p2 $0x0  }
0x1d: {  	s5 =	simm.s32 @p1 $0x1;
	p0 =	seq.s32 s7, s2  }
0x1e: {  	s7 =	smul.u32 @!p0 $0xF7A, s2;
	p2 =	seq.s32 @!p0 s5, $0x0  }
0x1f: {  	s9 =	smul.u32 $0xF7A, s1;
	s8 =	simm.s32 @!p0 $0x1BF5;
	p2 =	por !p2, p0  }
0x20: {  	[sflag:s8] =	ssyncset.s32 @!p0 $0xFFFFF086;
	s6 =	sadd.s32 @!p0 s3, s7;
	s7 =	simm.s32 @!p0 $0x108  }
0x21: {  	s3 =	sadd.s32 s3, s9;
	s6 =	sadd.s32 @!p0 $0x88, s6;
	s7 =	simm.s32 @p2 $0x1082  }
0x22: {  	[simem:s7], [sflag:s8] =	dma.local @!p0 [hbm:s6], $0xF7A  }
0x23: {  	s9 =	sor.u32 $0xD0000000, s2;
	s6 =	simm.s32 $0x108;
	_ =	swait.ge @!p0 [sflag:s8], $0x0  }
0x24: {  	s3 =	sadd.s32 $0x88, s3;
	s6 =	simm.s32 @!p1 $0x1082;
	[sflag:s4] =	ssyncset.s32 $0xFFFFF086  }
0x25: {  	[simem:s6], [sflag:s4] =	dma.local [hbm:s3], $0xF7A  }
0x26: {  	[smem:$0x3F99] =	sst s1;
	(tag) =	ssettag s2;
	_ =	strace s9  }
0x27: {  	s1 =	sld [smem:$0x3FA9]  }
0x28: {  	s2 =	sld [smem:$0x3FAA]  }
0x29: {  	s4 =	sld [smem:$0x3FAC]  }
0x2a: {  	p0 =	seq.s32 s5, $0x0;
	s5 =	sld [smem:$0x3FAD]  }
0x2b: {  	s6 =	sld [smem:$0x3FAE]  }
0x2c: {  	s7 =	sld [smem:$0x3FAF]  }
0x2d: {  	s3 =	simm.s32 $0x108;
	s8 =	sld [smem:$0x3FB0]  }
0x2e: {  	s3 =	simm.s32 @!p0 $0x1082;
	s9 =	sld [smem:$0x3FB1]  }
0x2f: {  	lr =	sadd.s32 s0, s3;
	s0 =	sld [smem:$0x3FA8]  }
0x30: {  	s3 =	sld [smem:$0x3FAB]  }
0x31: {  	[smem:$0x3FB4] =	sst s10  }
0x32: {  	s10 =	sld [smem:$0x3FB2];
	_ =	sdelay $0x3  }
0x33: {  	p0 =	seq.s32 s10, $0x1;
	s10 =	sld [smem:$0x3FB4];
	_ =	sdelay $0x3  }
0x34: {  	[smem:$0x3FB4] =	sst s10  }
0x35: {  	s10 =	sld [smem:$0x3FB3];
	_ =	sdelay $0x3  }
0x36: {  	p1 =	seq.s32 s10, $0x1;
	s10 =	sld [smem:$0x3FB4];
	_ =	sdelay $0x3  }
0x37: {  	[smem:$0x3FB4] =	sst s10  }
0x38: {  	s10 =	sld [smem:$0x3FB5]  }
0x39: {  	_ = 	snop;
	(pc) =	sbr.ind lr, $3  }
0x3a: {  	_ = 	snop  }
0x3b: {  	_ = 	snop  }
0x3c: {  	p2 =	seq.s32 s10, $0x1;
	s10 =	sld [smem:$0x3FB4]  }
0x3d: {  	_ =	shalt  }
0x3e: {  	_ =	shalt  }
0x3f: {  	_ =	shalt  }
0x40: {  	_ =	shalt  }
0x41: {  	_ =	shalt  }
0x42: {  	_ =	shalt  }
0x43: {  	_ =	shalt  }
0x44: {  	_ =	shalt  }
0x45: {  	_ =	shalt  }
0x46: {  	_ =	shalt  }
0x47: {  	_ =	shalt  }
0x48: {  	_ =	shalt  }
0x49: {  	_ =	shalt  }
0x4a: {  	_ =	shalt  }
0x4b: {  	_ =	shalt  }
0x4c: {  	_ =	shalt  }
0x4d: {  	_ =	shalt  }
0x4e: {  	_ =	shalt  }
0x4f: {  	_ =	shalt  }
0x50: {  	_ =	shalt  }
0x51: {  	_ =	shalt  }
0x52: {  	_ =	shalt  }
0x53: {  	_ =	shalt  }
0x54: {  	_ =	shalt  }
0x55: {  	_ =	shalt  }
0x56: {  	_ =	shalt  }
0x57: {  	_ =	shalt  }
0x58: {  	_ =	shalt  }
0x59: {  	_ =	shalt  }
0x5a: {  	_ =	shalt  }
0x5b: {  	_ =	shalt  }
0x5c: {  	_ =	shalt  }
0x5d: {  	_ =	shalt  }
0x5e: {  	_ =	shalt  }
0x5f: {  	_ =	shalt  }
0x60: {  	_ =	shalt  }
0x61: {  	_ =	shalt  }
0x62: {  	_ =	shalt  }
0x63: {  	_ =	shalt  }
0x64: {  	_ =	shalt  }
0x65: {  	_ =	shalt  }
0x66: {  	_ =	shalt  }
0x67: {  	_ =	shalt  }
0x68: {  	_ =	shalt  }
0x69: {  	_ =	shalt  }
0x6a: {  	_ =	shalt  }
0x6b: {  	_ =	shalt  }
0x6c: {  	_ =	shalt  }
0x6d: {  	_ =	shalt  }
0x6e: {  	_ =	shalt  }
0x6f: {  	_ =	shalt  }
0x70: {  	_ =	shalt  }
0x71: {  	_ =	shalt  }
0x72: {  	_ =	shalt  }
0x73: {  	_ =	shalt  }
0x74: {  	_ =	shalt  }
0x75: {  	_ =	shalt  }
0x76: {  	_ =	shalt  }
0x77: {  	_ =	shalt  }
0x78: {  	_ =	shalt  }
0x79: {  	_ =	shalt  }
0x7a: {  	_ =	shalt  }
0x7b: {  	_ =	shalt  }
0x7c: {  	_ =	shalt  }
0x7d: {  	_ =	shalt  }
0x7e: {  	_ =	shalt  }
0x7f: {  	_ =	shalt  }
0x80: {  	_ =	shalt  }
0x81: {  	_ =	shalt  }
0x82: {  	_ =	shalt  }
0x83: {  	_ =	shalt  }
0x84: {  	_ =	shalt  }
0x85: {  	_ =	shalt  }
0x86: {  	_ =	shalt  }
0x87: {  	_ =	shalt  }
.Lfunc_end0:
.L_simem_size_0:
called_computation.1_lowered:
.L_overlay_start_0:
0x88: {  	s2 =	sld [smem:$0x3FD9]  }
0x89: {  	s3 =	sld [smem:$0x3FFE];
	_ =	sdelay $0x1  }
0x8a: {  	s1 =	srdreg.scid  }
0x8b: {  	s0 =	sand.u32 $0x1, s1  }
0x8c: {  	s16 =	sshll.u32 s0, $0xA;
	s2 =	sadd.s32 s3, s2  }
0x8d: {  	s2 =	sadd.s32 s2, s16  }
0x8e: {  	[smem:$0x3FC0] =	sst s2  }
0x8f: {  	_ = 	snop  }
0x90: {  	(tm) =	ssettm $0x1  }
0x91: {  	s17 =	sld [smem:$0x3FFB];
	_ =	sdelay $0x3  }
0x92: {  	_ =	strace s17  }
0x93: {  	s2 =	sld [smem:$0x3FFC];
	_ =	sdelay $0x3  }
0x94: {  	_ =	strace s2  }
0x95: {  	s2 =	sld [smem:$0x3FFD];
	_ =	sdelay $0x3  }
0x96: {  	_ =	strace s2  }
0x97: {  	_ =	strace $0x8FFFFFFF  }
0x98: {  	s18 =	sld [smem:$0x3FDB];
	_ =	sdelay $0x1  }
0x99: {  	s19 =	simm.s32 $_scs_section_size  }
0x9a: {  	s4 =	simm.s32 $_size__tile_overlayer_lowered;
	s5 =	simm.s32 $_tile_overlayer_lowered  }
0x9b: {  	s22 =	simm.s32 $0x1BFF;
	s21 =	sshll.u32 s5, $0x1;
	s2 =	sadd.s32 s19, s18  }
0x9c: {  	s6 =	simm.s32 $0x0;
	s20 =	sshll.u32 s4, $0x1;
	s4 =	sadd.s32 s21, s2  }
0x9d: {  	[timem:s6], [sflag:s22] =	dma.local [hbm:s4], s20  }
0x9e: {  	_ =	swait.ge [sflag:s22], s20  }
0x9f: {  	s3 =	ssub.s32 $0x0, s20;
	[sflag:s22] =	ssyncset.done $0x0  }
0xa0: {  	[sflag:s22] =	ssyncadd.s32 s3;
	_ =	sdelay $0x1  }
0xa1: {  	s23 =	simm.s32 $0x1B8B  }
0xa2: {  	_ =	swait.ge [sflag:s23], $0x1  }
0xa3: {  	[sflag:s23] =	ssyncset.done $0x0  }
0xa4: {  	s25 =	simm.s32 $0x1B8E;
	s24 =	sld [smem:$0x3FFE];
	[sflag:s23] =	ssyncadd.s32 $0xFFFFFFFF  }
0xa5: {  	s26 =	simm.s32 $execute0_lowered;
	[smem:$0x3FD2] =	sst s25  }
0xa6: {  	s4 =	sshll.u32 s26, $0x1;
	_ =	strace $0x80000049;
	[dreg:$0x1] =	wrdreg $0xFFFFFFFF  }
0xa7: {  	s28 =	simm.s32 $_size_execute0_lowered;
	s2 =	sadd.s32 s2, s4;
	[dreg:$0x0] =	wrdreg $0x0  }
0xa8: {  	s4 =	sshll.u32 s28, $0x1;
	[dreg:$0x2] =	wrdreg s2  }
0xa9: {  	[dreg:$0x3] =	wrdreg s4  }
0xaa: {  	[dreg:$0x4] =	wrdreg $0xC0  }
0xab: {  	_ =	task [dreg:s6], $0x5FFFF  }
0xac: {  	[dreg:$0x1] =	wrdreg $0xFFFFFFFF  }
0xad: {  	[dreg:$0x0] =	wrdreg $0x60  }
0xae: {  	[dreg:$0x2] =	wrdreg s24  }
0xaf: {  	[dreg:$0x3] =	wrdreg $0x9  }
0xb0: {  	_ =	task.clear_ibuf [dreg:s6], $0x4FFFF;
	_ =	strace $0x90000049  }
0xb1: {  	s29 =	simm.s32 $0x9;
	_ =	strace $0x8000004B  }
0xb2: {  	_ =	swait.ge [sflag:s29], $0x1  }
0xb3: {  	[sflag:s29] =	ssyncadd.s32 $0xFFFFFFFF  }
0xb4: {  	_ =	strace $0x9000004B  }
0xb5: {  	_ =	sfence  }
0xb6: {  	s30 =	sld [smem:$0x0];
	_ =	sdelay $0x2  }
0xb7: {  	s31 =	sshll.u32 s1, $0xD;
	s1 =	sshrl.u32 s1, $0x2  }
0xb8: {  	s3 =	sand.u32 $0x4000, s31;
	s1 =	sadd.s32 s1, s30  }
0xb9: {  	s0 =	sor.u32 s3, s0;
	s1 =	sshll.u32 s1, $0x11  }
0xba: {  	s0 =	sor.u32 s1, s0  }
0xbb: {  	s0 =	sadd.s32 $0x8F2B, s0  }
0xbc: {  	[sflag:s0] =	ssyncadd.remote.s32 $0x1  }
0xbd: {  	_ =	sfence.sel $0xFFFF  }
0xbe: {  	[dreg:$0x0] =	wrdreg $0xFFFFFFFF;
	(pc) =	sbr.abs _section_cstart, $3  }
0xbf: {  	[dreg:$0x1] =	wrdreg $0xFFFFFFFF  }
0xc0: {  	_ =	task.clear_ibuf [dreg:s6], $0x2FFFF;
	_ =	strace $0x9FFFFFFF  }
0xc1: {  	(tm) =	ssettm $0x7FFFFFFF  }
tec
execute0_lowered:
.L_overlay_start_1:
0x0: {  	(tag) =	ssettag $0x1  }
0x1: {  	s0 =	rddreg [dreg:$0x0];
	s1 =	srdreg.scid  }
0x2: {  	s3 =	stileid.u32;
	s2 =	simm.s32 $0x0;
	s18 =	simm.s32 $0x1  }
0x3: {  	s20 =	simm.s32 $0x900;
	s21 =	simm.s32 $0x1100;
	s22 =	simm.s32 $0x1900  }
0x4: {  	s23 =	simm.s32 $0x2100;
	s24 =	simm.s32 $0x2900;
	s25 =	simm.s32 $0x3100  }
0x5: {  	s28 =	simm.s32 $0x4100;
	s29 =	simm.s32 $0x4900;
	s30 =	simm.s32 $0x5100  }
0x6: {  	s31 =	simm.s32 $0x5900;
	s10 =	simm.s32 $0x7100;
	s11 =	simm.s32 $0x7900  }
0x7: {  	s12 =	simm.s32 $0x8100;
	s13 =	simm.s32 $0x8900;
	s14 =	simm.s32 $0x9100  }
0x8: {  	s15 =	simm.s32 $0x9900;
	s16 =	simm.s32 $0xA100;
	s17 =	simm.s32 $0xA900  }
0x9: {  	s1 =	sand.u32 $0x1, s1;
	s3 =	sshll.u32 s3, $0x1;
	[smem:$0x7FF] =	sst s2  }
0xa: {  	s9 =	simm.s32 $0xB100;
	s4 =	sor.u32 s1, s3;
	_ =	strace $0x8000004A  }
0xb: {  	s3 =	sadd.s32 $0xC1E00, s0;
	s1 =	ssub.s32 $0x2, s1;
	s5 =	sshll.u32 s4, $0x5  }
0xc: {  	s4 =	sshll.u32 s4, $0xE;
	s6 =	sshrl.u32 s1, $0x1;
	s5 =	sadd.s32 s5, s0  }
0xd: {  	s7 =	sadd.s32 s4, s0;
	s1 =	ssub.s32 s1, s6;
	s5 =	sadd.s32 $0x1A00, s5  }
0xe: {  	s4 =	sadd.s32 $0xC1F00, s0;
	s8 =	sadd.s32 $0x1E00, s7;
	[dreg:$0x2] =	wrdreg s5  }
0xf: {  	v2 =	vlaneseq.u32;
	s6 =	sadd.s32 $0xC2100, s0;
	s26 =	sadd.s32 $0x3E00, s7;
	[dreg:$0x3] =	wrdreg s8  }
0x10: {  	vm0 =	vmmov $0xffff;
	v1 =	vshrl.u32 v2, $0x3;
	s7 =	smax.u32 s1, $0x1;
	s5 =	sadd.s32 $0xC2000, s0;
	[dreg:$0x4] =	wrdreg s26  }
0x11: {  	v0 =	vand.u32 $0x7, v2;
	v2 =	vor.u32 $0x8, v2;
	v1 =	vmul.u32 $0x8, v1;
	s8 =	simm.s32 $0x2;
	s0 =	simm.s32 $0x100;
	s26 =	simm.s32 $0x3900  }
.LBB2_1:
0x12: {  	s19 =	rddreg [dreg:$0x2]  }
0x13: {  	[tilespmem:s2], [sflag:$0x2] =	stream.linear.gather [hbm4b:s19+s2], $0x100, $0x38;
	[tilespmem:$0x10100] =	vst v63  }
0x14: {  	_ =	swait.ge [sflag:s8], $0x100  }
0x15: {  	[sflag:s8] =	ssyncset.done $0x0  }
0x16: {  	[sflag:s8] =	ssyncadd.s32 $0xFFFFFF00  }
0x17: {  	v3 =	vld [tilespmem:$0x0];
	_ =	sdelay $0x4  }
0x18: {  	v4 =	vshll.u32 v3, $0x3  }
0x19: {  	v3 =	vand.u32 $0x7, v3;
	v4 =	vand.u32 $0xFFFFFFC0, v4  }
0x1a: {  	v3 =	vor.u32 v3, v4  }
0x1b: {  	v4 =	vperm.xlane v3, v0;
	_ =	sdelay $0x1  }
0x1c: {  	v4 =	vadd.s32 v1, v4;
	_ =	sdelay $0x4  }
0x1d: {  	[tilespmem:s0], [sflag:$0x1] =	stream.indirect_vreg.gather [hbm4b:s3+s2], $0x80, v4, vm0, $0xb8;
	[tilespmem:$0x10100] =	vst v63  }
0x1e: {  	v3 =	vperm.xlane v3, v2  }
0x1f: {  	[tilespmem:s20], [sflag:$0x1] =	stream.indirect_vreg.gather [hbm4b:s4+s2], $0x80, v4, vm0, $0xb8;
	[tilespmem:$0x10100] =	vst v63  }
0x20: {  	v3 =	vadd.s32 v1, v3  }
0x21: {  	[tilespmem:s21], [sflag:$0x1] =	stream.indirect_vreg.gather [hbm4b:s5+s2], $0x80, v4, vm0, $0xb8;
	[tilespmem:$0x10100] =	vst v63  }
0x22: {  	_ = 	snop  }
0x23: {  	[tilespmem:s22], [sflag:$0x1] =	stream.indirect_vreg.gather [hbm4b:s6+s2], $0x80, v4, vm0, $0xb8;
	[tilespmem:$0x10100] =	vst v63  }
0x24: {  	_ = 	snop  }
0x25: {  	[tilespmem:s23], [sflag:$0x1] =	stream.indirect_vreg.gather [hbm4b:s3+s2], $0x80, v3, vm0, $0xb8;
	[tilespmem:$0x10100] =	vst v63  }
0x26: {  	_ = 	snop  }
0x27: {  	[tilespmem:s24], [sflag:$0x1] =	stream.indirect_vreg.gather [hbm4b:s4+s2], $0x80, v3, vm0, $0xb8;
	[tilespmem:$0x10100] =	vst v63  }
0x28: {  	_ = 	snop  }
0x29: {  	[tilespmem:s25], [sflag:$0x1] =	stream.indirect_vreg.gather [hbm4b:s5+s2], $0x80, v3, vm0, $0xb8;
	[tilespmem:$0x10100] =	vst v63  }
0x2a: {  	_ = 	snop  }
0x2b: {  	[tilespmem:s26], [sflag:$0x1] =	stream.indirect_vreg.gather [hbm4b:s6+s2], $0x80, v3, vm0, $0xb8;
	[tilespmem:$0x10100] =	vst v63  }
0x2c: {  	v3 =	vld [tilespmem:$0x10];
	_ =	sdelay $0x4  }
0x2d: {  	v57 =	vshll.u32 v3, $0x3  }
0x2e: {  	v3 =	vand.u32 $0x7, v3;
	v4 =	vand.u32 $0xFFFFFFC0, v57  }
0x2f: {  	v3 =	vor.u32 v3, v4  }
0x30: {  	v4 =	vperm.xlane v3, v0;
	_ =	sdelay $0x1  }
0x31: {  	v4 =	vadd.s32 v1, v4;
	_ =	sdelay $0x4  }
0x32: {  	[tilespmem:s28], [sflag:$0x1] =	stream.indirect_vreg.gather [hbm4b:s3+s2], $0x80, v4, vm0, $0xb8;
	[tilespmem:$0x10100] =	vst v63  }
0x33: {  	v3 =	vperm.xlane v3, v2  }
0x34: {  	[tilespmem:s29], [sflag:$0x1] =	stream.indirect_vreg.gather [hbm4b:s4+s2], $0x80, v4, vm0, $0xb8;
	[tilespmem:$0x10100] =	vst v63  }
0x35: {  	v3 =	vadd.s32 v1, v3  }
0x36: {  	[tilespmem:s30], [sflag:$0x1] =	stream.indirect_vreg.gather [hbm4b:s5+s2], $0x80, v4, vm0, $0xb8;
	[tilespmem:$0x10100] =	vst v63  }
0x37: {  	_ = 	snop  }
0x38: {  	[tilespmem:s31], [sflag:$0x1] =	stream.indirect_vreg.gather [hbm4b:s6+s2], $0x80, v4, vm0, $0xb8;
	[tilespmem:$0x10100] =	vst v63  }
0x39: {  	s1 =	simm.s32 $0x6100  }
0x3a: {  	[tilespmem:s1], [sflag:$0x1] =	stream.indirect_vreg.gather [hbm4b:s3+s2], $0x80, v3, vm0, $0xb8;
	[tilespmem:$0x10100] =	vst v63  }
0x3b: {  	s1 =	simm.s32 $0x6900  }
0x3c: {  	[tilespmem:s1], [sflag:$0x1] =	stream.indirect_vreg.gather [hbm4b:s4+s2], $0x80, v3, vm0, $0xb8;
	[tilespmem:$0x10100] =	vst v63  }
0x3d: {  	_ = 	snop  }
0x3e: {  	[tilespmem:s10], [sflag:$0x1] =	stream.indirect_vreg.gather [hbm4b:s5+s2], $0x80, v3, vm0, $0xb8;
	[tilespmem:$0x10100] =	vst v63  }
0x3f: {  	_ = 	snop  }
0x40: {  	[tilespmem:s11], [sflag:$0x1] =	stream.indirect_vreg.gather [hbm4b:s6+s2], $0x80, v3, vm0, $0xb8;
	[tilespmem:$0x10100] =	vst v63  }
0x41: {  	v3 =	vld [tilespmem:$0x20];
	_ =	sdelay $0x4  }
0x42: {  	v58 =	vshll.u32 v3, $0x3  }
0x43: {  	v3 =	vand.u32 $0x7, v3;
	v4 =	vand.u32 $0xFFFFFFC0, v58  }
0x44: {  	v3 =	vor.u32 v3, v4  }
0x45: {  	v4 =	vperm.xlane v3, v0;
	_ =	sdelay $0x1  }
0x46: {  	v4 =	vadd.s32 v1, v4;
	_ =	sdelay $0x4  }
0x47: {  	[tilespmem:s12], [sflag:$0x1] =	stream.indirect_vreg.gather [hbm4b:s3+s2], $0x80, v4, vm0, $0xb8;
	[tilespmem:$0x10100] =	vst v63  }
0x48: {  	v3 =	vperm.xlane v3, v2  }
0x49: {  	[tilespmem:s13], [sflag:$0x1] =	stream.indirect_vreg.gather [hbm4b:s4+s2], $0x80, v4, vm0, $0xb8;
	[tilespmem:$0x10100] =	vst v63  }
0x4a: {  	v3 =	vadd.s32 v1, v3  }
0x4b: {  	[tilespmem:s14], [sflag:$0x1] =	stream.indirect_vreg.gather [hbm4b:s5+s2], $0x80, v4, vm0, $0xb8;
	[tilespmem:$0x10100] =	vst v63  }
0x4c: {  	_ = 	snop  }
0x4d: {  	[tilespmem:s15], [sflag:$0x1] =	stream.indirect_vreg.gather [hbm4b:s6+s2], $0x80, v4, vm0, $0xb8;
	[tilespmem:$0x10100] =	vst v63  }
0x4e: {  	_ = 	snop  }
0x4f: {  	[tilespmem:s16], [sflag:$0x1] =	stream.indirect_vreg.gather [hbm4b:s3+s2], $0x80, v3, vm0, $0xb8;
	[tilespmem:$0x10100] =	vst v63  }
0x50: {  	_ = 	snop  }
0x51: {  	[tilespmem:s17], [sflag:$0x1] =	stream.indirect_vreg.gather [hbm4b:s4+s2], $0x80, v3, vm0, $0xb8;
	[tilespmem:$0x10100] =	vst v63  }
0x52: {  	_ = 	snop  }
0x53: {  	[tilespmem:s9], [sflag:$0x1] =	stream.indirect_vreg.gather [hbm4b:s5+s2], $0x80, v3, vm0, $0xb8;
	[tilespmem:$0x10100] =	vst v63  }
0x54: {  	s19 =	simm.s32 $0xB900  }
0x55: {  	[tilespmem:s19], [sflag:$0x1] =	stream.indirect_vreg.gather [hbm4b:s6+s2], $0x80, v3, vm0, $0xb8;
	[tilespmem:$0x10100] =	vst v63  }
0x56: {  	v3 =	vld [tilespmem:$0x30];
	_ =	sdelay $0x4  }
0x57: {  	v59 =	vshll.u32 v3, $0x3  }
0x58: {  	v3 =	vand.u32 $0x7, v3;
	v4 =	vand.u32 $0xFFFFFFC0, v59  }
0x59: {  	v3 =	vor.u32 v3, v4  }
0x5a: {  	v4 =	vperm.xlane v3, v0;
	_ =	sdelay $0x1  }
0x5b: {  	v4 =	vadd.s32 v1, v4;
	_ =	sdelay $0x3  }
0x5c: {  	s19 =	simm.s32 $0xC100  }
0x5d: {  	[tilespmem:s19], [sflag:$0x1] =	stream.indirect_vreg.gather [hbm4b:s3+s2], $0x80, v4, vm0, $0xb8;
	[tilespmem:$0x10100] =	vst v63  }
0x5e: {  	v3 =	vperm.xlane v3, v2;
	s19 =	simm.s32 $0xC900  }
0x5f: {  	[tilespmem:s19], [sflag:$0x1] =	stream.indirect_vreg.gather [hbm4b:s4+s2], $0x80, v4, vm0, $0xb8;
	[tilespmem:$0x10100] =	vst v63  }
0x60: {  	v3 =	vadd.s32 v1, v3;
	s19 =	simm.s32 $0xD100  }
0x61: {  	[tilespmem:s19], [sflag:$0x1] =	stream.indirect_vreg.gather [hbm4b:s5+s2], $0x80, v4, vm0, $0xb8;
	[tilespmem:$0x10100] =	vst v63  }
0x62: {  	s19 =	simm.s32 $0xD900  }
0x63: {  	[tilespmem:s19], [sflag:$0x1] =	stream.indirect_vreg.gather [hbm4b:s6+s2], $0x80, v4, vm0, $0xb8;
	[tilespmem:$0x10100] =	vst v63  }
0x64: {  	s19 =	simm.s32 $0xE100  }
0x65: {  	[tilespmem:s19], [sflag:$0x1] =	stream.indirect_vreg.gather [hbm4b:s3+s2], $0x80, v3, vm0, $0xb8;
	[tilespmem:$0x10100] =	vst v63  }
0x66: {  	s19 =	simm.s32 $0xE900  }
0x67: {  	[tilespmem:s19], [sflag:$0x1] =	stream.indirect_vreg.gather [hbm4b:s4+s2], $0x80, v3, vm0, $0xb8;
	[tilespmem:$0x10100] =	vst v63  }
0x68: {  	s19 =	simm.s32 $0xF100  }
0x69: {  	[tilespmem:s19], [sflag:$0x1] =	stream.indirect_vreg.gather [hbm4b:s5+s2], $0x80, v3, vm0, $0xb8;
	[tilespmem:$0x10100] =	vst v63  }
0x6a: {  	s19 =	simm.s32 $0xF900  }
0x6b: {  	[tilespmem:s19], [sflag:$0x1] =	stream.indirect_vreg.gather [hbm4b:s6+s2], $0x80, v3, vm0, $0xb8;
	[tilespmem:$0x10100] =	vst v63  }
0x6c: {  	_ =	swait.ge [sflag:s18], $0x10000  }
0x6d: {  	[sflag:s18] =	ssyncset.done $0x0  }
0x6e: {  	s19 =	rddreg [dreg:$0x3];
	[sflag:s18] =	ssyncadd.s32 $0xFFFF0000  }
0x6f: {  	[hbm4b:s19+s2] =	stream.linear.scatter [tilespmem:s0], [sflag:$0x2], $0x10000, $0x38;
	[tilespmem:$0x10100] =	vst v63  }
0x70: {  	_ =	swait.ge [sflag:s8], $0x10000  }
0x71: {  	[sflag:s8] =	ssyncset.done $0x0  }
0x72: {  	[sflag:s8] =	ssyncadd.s32 $0xFFFF0000  }
0x73: {  	v3 =	vld [tilespmem:$0x80];
	_ =	sdelay $0x4  }
0x74: {  	v60 =	vshll.u32 v3, $0x3  }
0x75: {  	v3 =	vand.u32 $0x7, v3;
	v4 =	vand.u32 $0xFFFFFFC0, v60  }
0x76: {  	v3 =	vor.u32 v3, v4  }
0x77: {  	v4 =	vperm.xlane v3, v0;
	_ =	sdelay $0x1  }
0x78: {  	v4 =	vadd.s32 v1, v4;
	_ =	sdelay $0x4  }
0x79: {  	[tilespmem:s0], [sflag:$0x1] =	stream.indirect_vreg.gather [hbm4b:s3+s2], $0x80, v4, vm0, $0xb8;
	[tilespmem:$0x10100] =	vst v63  }
0x7a: {  	v3 =	vperm.xlane v3, v2  }
0x7b: {  	[tilespmem:s20], [sflag:$0x1] =	stream.indirect_vreg.gather [hbm4b:s4+s2], $0x80, v4, vm0, $0xb8;
	[tilespmem:$0x10100] =	vst v63  }
0x7c: {  	v3 =	vadd.s32 v1, v3  }
0x7d: {  	[tilespmem:s21], [sflag:$0x1] =	stream.indirect_vreg.gather [hbm4b:s5+s2], $0x80, v4, vm0, $0xb8;
	[tilespmem:$0x10100] =	vst v63  }
0x7e: {  	_ = 	snop  }
0x7f: {  	[tilespmem:s22], [sflag:$0x1] =	stream.indirect_vreg.gather [hbm4b:s6+s2], $0x80, v4, vm0, $0xb8;
	[tilespmem:$0x10100] =	vst v63  }
0x80: {  	_ = 	snop  }
0x81: {  	[tilespmem:s23], [sflag:$0x1] =	stream.indirect_vreg.gather [hbm4b:s3+s2], $0x80, v3, vm0, $0xb8;
	[tilespmem:$0x10100] =	vst v63  }
0x82: {  	_ = 	snop  }
0x83: {  	[tilespmem:s24], [sflag:$0x1] =	stream.indirect_vreg.gather [hbm4b:s4+s2], $0x80, v3, vm0, $0xb8;
	[tilespmem:$0x10100] =	vst v63  }
0x84: {  	_ = 	snop  }
0x85: {  	[tilespmem:s25], [sflag:$0x1] =	stream.indirect_vreg.gather [hbm4b:s5+s2], $0x80, v3, vm0, $0xb8;
	[tilespmem:$0x10100] =	vst v63  }
0x86: {  	_ = 	snop  }
0x87: {  	[tilespmem:s26], [sflag:$0x1] =	stream.indirect_vreg.gather [hbm4b:s6+s2], $0x80, v3, vm0, $0xb8;
	[tilespmem:$0x10100] =	vst v63  }
0x88: {  	v3 =	vld [tilespmem:$0x90];
	_ =	sdelay $0x4  }
0x89: {  	v61 =	vshll.u32 v3, $0x3  }
0x8a: {  	v3 =	vand.u32 $0x7, v3;
	v4 =	vand.u32 $0xFFFFFFC0, v61  }
0x8b: {  	v3 =	vor.u32 v3, v4  }
0x8c: {  	v4 =	vperm.xlane v3, v0;
	_ =	sdelay $0x1  }
0x8d: {  	v4 =	vadd.s32 v1, v4;
	_ =	sdelay $0x4  }
0x8e: {  	[tilespmem:s28], [sflag:$0x1] =	stream.indirect_vreg.gather [hbm4b:s3+s2], $0x80, v4, vm0, $0xb8;
	[tilespmem:$0x10100] =	vst v63  }
0x8f: {  	v3 =	vperm.xlane v3, v2  }
0x90: {  	[tilespmem:s29], [sflag:$0x1] =	stream.indirect_vreg.gather [hbm4b:s4+s2], $0x80, v4, vm0, $0xb8;
	[tilespmem:$0x10100] =	vst v63  }
0x91: {  	v3 =	vadd.s32 v1, v3  }
0x92: {  	[tilespmem:s30], [sflag:$0x1] =	stream.indirect_vreg.gather [hbm4b:s5+s2], $0x80, v4, vm0, $0xb8;
	[tilespmem:$0x10100] =	vst v63  }
0x93: {  	_ = 	snop  }
0x94: {  	[tilespmem:s31], [sflag:$0x1] =	stream.indirect_vreg.gather [hbm4b:s6+s2], $0x80, v4, vm0, $0xb8;
	[tilespmem:$0x10100] =	vst v63  }
0x95: {  	s19 =	simm.s32 $0x6100  }
0x96: {  	[tilespmem:s19], [sflag:$0x1] =	stream.indirect_vreg.gather [hbm4b:s3+s2], $0x80, v3, vm0, $0xb8;
	[tilespmem:$0x10100] =	vst v63  }
0x97: {  	_ = 	snop  }
0x98: {  	[tilespmem:s1], [sflag:$0x1] =	stream.indirect_vreg.gather [hbm4b:s4+s2], $0x80, v3, vm0, $0xb8;
	[tilespmem:$0x10100] =	vst v63  }
0x99: {  	_ = 	snop  }
0x9a: {  	[tilespmem:s10], [sflag:$0x1] =	stream.indirect_vreg.gather [hbm4b:s5+s2], $0x80, v3, vm0, $0xb8;
	[tilespmem:$0x10100] =	vst v63  }
0x9b: {  	_ = 	snop  }
0x9c: {  	[tilespmem:s11], [sflag:$0x1] =	stream.indirect_vreg.gather [hbm4b:s6+s2], $0x80, v3, vm0, $0xb8;
	[tilespmem:$0x10100] =	vst v63  }
0x9d: {  	v3 =	vld [tilespmem:$0xA0];
	_ =	sdelay $0x4  }
0x9e: {  	v62 =	vshll.u32 v3, $0x3  }
0x9f: {  	v3 =	vand.u32 $0x7, v3;
	v4 =	vand.u32 $0xFFFFFFC0, v62  }
0xa0: {  	v3 =	vor.u32 v3, v4  }
0xa1: {  	v4 =	vperm.xlane v3, v0;
	_ =	sdelay $0x1  }
0xa2: {  	v4 =	vadd.s32 v1, v4;
	_ =	sdelay $0x4  }
0xa3: {  	[tilespmem:s12], [sflag:$0x1] =	stream.indirect_vreg.gather [hbm4b:s3+s2], $0x80, v4, vm0, $0xb8;
	[tilespmem:$0x10100] =	vst v63  }
0xa4: {  	v3 =	vperm.xlane v3, v2  }
0xa5: {  	[tilespmem:s13], [sflag:$0x1] =	stream.indirect_vreg.gather [hbm4b:s4+s2], $0x80, v4, vm0, $0xb8;
	[tilespmem:$0x10100] =	vst v63  }
0xa6: {  	v3 =	vadd.s32 v1, v3  }
0xa7: {  	[tilespmem:s14], [sflag:$0x1] =	stream.indirect_vreg.gather [hbm4b:s5+s2], $0x80, v4, vm0, $0xb8;
	[tilespmem:$0x10100] =	vst v63  }
0xa8: {  	_ = 	snop  }
0xa9: {  	[tilespmem:s15], [sflag:$0x1] =	stream.indirect_vreg.gather [hbm4b:s6+s2], $0x80, v4, vm0, $0xb8;
	[tilespmem:$0x10100] =	vst v63  }
0xaa: {  	_ = 	snop  }
0xab: {  	[tilespmem:s16], [sflag:$0x1] =	stream.indirect_vreg.gather [hbm4b:s3+s2], $0x80, v3, vm0, $0xb8;
	[tilespmem:$0x10100] =	vst v63  }
0xac: {  	_ = 	snop  }
0xad: {  	[tilespmem:s17], [sflag:$0x1] =	stream.indirect_vreg.gather [hbm4b:s4+s2], $0x80, v3, vm0, $0xb8;
	[tilespmem:$0x10100] =	vst v63  }
0xae: {  	_ = 	snop  }
0xaf: {  	[tilespmem:s9], [sflag:$0x1] =	stream.indirect_vreg.gather [hbm4b:s5+s2], $0x80, v3, vm0, $0xb8;
	[tilespmem:$0x10100] =	vst v63  }
0xb0: {  	s19 =	simm.s32 $0xB900  }
0xb1: {  	[tilespmem:s19], [sflag:$0x1] =	stream.indirect_vreg.gather [hbm4b:s6+s2], $0x80, v3, vm0, $0xb8;
	[tilespmem:$0x10100] =	vst v63  }
0xb2: {  	v3 =	vld [tilespmem:$0xB0];
	_ =	sdelay $0x4  }
0xb3: {  	v63 =	vshll.u32 v3, $0x3  }
0xb4: {  	v3 =	vand.u32 $0x7, v3;
	v4 =	vand.u32 $0xFFFFFFC0, v63  }
0xb5: {  	v3 =	vor.u32 v3, v4  }
0xb6: {  	v4 =	vperm.xlane v3, v0;
	_ =	sdelay $0x1  }
0xb7: {  	v4 =	vadd.s32 v1, v4;
	_ =	sdelay $0x3  }
0xb8: {  	s19 =	simm.s32 $0xC100  }
0xb9: {  	[tilespmem:s19], [sflag:$0x1] =	stream.indirect_vreg.gather [hbm4b:s3+s2], $0x80, v4, vm0, $0xb8;
	[tilespmem:$0x10100] =	vst v63  }
0xba: {  	v3 =	vperm.xlane v3, v2;
	s19 =	simm.s32 $0xC900  }
0xbb: {  	[tilespmem:s19], [sflag:$0x1] =	stream.indirect_vreg.gather [hbm4b:s4+s2], $0x80, v4, vm0, $0xb8;
	[tilespmem:$0x10100] =	vst v63  }
0xbc: {  	v3 =	vadd.s32 v1, v3;
	s19 =	simm.s32 $0xD100  }
0xbd: {  	[tilespmem:s19], [sflag:$0x1] =	stream.indirect_vreg.gather [hbm4b:s5+s2], $0x80, v4, vm0, $0xb8;
	[tilespmem:$0x10100] =	vst v63  }
0xbe: {  	s19 =	simm.s32 $0xD900  }
0xbf: {  	[tilespmem:s19], [sflag:$0x1] =	stream.indirect_vreg.gather [hbm4b:s6+s2], $0x80, v4, vm0, $0xb8;
	[tilespmem:$0x10100] =	vst v63  }
0xc0: {  	s19 =	simm.s32 $0xE100  }
0xc1: {  	[tilespmem:s19], [sflag:$0x1] =	stream.indirect_vreg.gather [hbm4b:s3+s2], $0x80, v3, vm0, $0xb8;
	[tilespmem:$0x10100] =	vst v63  }
0xc2: {  	s19 =	simm.s32 $0xE900  }
0xc3: {  	[tilespmem:s19], [sflag:$0x1] =	stream.indirect_vreg.gather [hbm4b:s4+s2], $0x80, v3, vm0, $0xb8;
	[tilespmem:$0x10100] =	vst v63  }
0xc4: {  	s19 =	simm.s32 $0xF100  }
0xc5: {  	[tilespmem:s19], [sflag:$0x1] =	stream.indirect_vreg.gather [hbm4b:s5+s2], $0x80, v3, vm0, $0xb8;
	[tilespmem:$0x10100] =	vst v63  }
0xc6: {  	s19 =	simm.s32 $0xF900  }
0xc7: {  	[tilespmem:s19], [sflag:$0x1] =	stream.indirect_vreg.gather [hbm4b:s6+s2], $0x80, v3, vm0, $0xb8;
	[tilespmem:$0x10100] =	vst v63  }
0xc8: {  	_ =	swait.ge [sflag:s18], $0x10000  }
0xc9: {  	p0 =	sne.s32 s7, $0x1;
	[sflag:s18] =	ssyncset.done $0x0  }
.Ltmp0:
0xca: {  	s1 =	rddreg [dreg:$0x4];
	[sflag:s18] =	ssyncadd.s32 $0xFFFF0000;
	(pc) =	sbr.rel @p0 .LBB2_1-.Ltmp0, $4  }
0xcb: {  	[hbm4b:s1+s2] =	stream.linear.scatter [tilespmem:s0], [sflag:$0x2], $0x10000, $0x38;
	[tilespmem:$0x10100] =	vst v63  }
0xcc: {  	_ =	swait.ge [sflag:s8], $0x10000  }
0xcd: {  	[sflag:s8] =	ssyncset.done $0x0  }
0xce: {  	s7 =	sadd.s32 $0xFFFFFFFF, s7;
	[sflag:s8] =	ssyncadd.s32 $0xFFFF0000  }
0xcf: {  	_ =	sfence.sel $0x180000  }
0xd0: {  	[bflag:$0x0] =	sbarrier.arrive $0xFFFF  }
0xd1: {  	_ =	strace $0x9000004A  }
0xd2: {  	s0 =	stileid.u32;
	[bflag:$0x2] =	sbarrier.arrive $0xFFFF  }
0xd3: {  	p0 =	sne.s32 s0, $0x0;
	s0 =	rddreg [dreg:$0x1]  }
0xd4: {  	s0 =	sadd.s32 @!p0 $0x100000, s0  }
0xd5: {  	[sflag:s0] =	ssyncadd.tile.s32 @!p0 $0x1;
	_ =	shalt  }
.Lfunc_end2:
_tile_overlayer_lowered:
.L_overlay_start_2:
0xd6: {  	(tag) =	ssettag $0x2  }
0xd7: {  	s0 =	rddreg [dreg:$0x0];
	s2 =	stileid.u32  }
0xd8: {  	s1 =	rddreg [dreg:$0x1];
	p0 =	sne.s32 s2, $0x0  }
0xd9: {  	s3 =	rddreg [dreg:$0x2];
	[bflag:$0x3] =	sbarrier.arrive $0xFFFF;
	s2 =	simm.s32 @!p0 $0x1C02  }
0xda: {  	[timem:s3], [sflag:s2] =	dma.local @!p0 [hbm:s0], s1  }
0xdb: {  	s0 =	simm.s32 @!p0 $0x2  }
0xdc: {  	_ =	swait.ge @!p0 [sflag:s0], s1  }
0xdd: {  	s1 =	ssub.s32 @!p0 $0x0, s1;
	[sflag:s0] =	ssyncset.done @!p0 $0x0  }
0xde: {  	[sflag:s0] =	ssyncadd.s32 @!p0 s1  }
0xdf: {  	[bflag:$0x3] =	sbarrier.arrive $0xFFFF  }
0xe0: {  	_ =	shalt  }

// kernel: kernel.8.cloned.1.call-start
scs
__scs_entry_jumppad:
0x0: {  	(pc) =	sbr.rel $0x88, $3  }
0x1: {  	(tag) =	ssettag $0x0;
	lr =	simm.s32 $0x1  }
0x2: {  	[smem:$0x3F99] =	sst lr;
	_ =	strace $0xD0000000  }
0x3: {  	_ = 	snop  }
0x4: {  	_ = 	snop  }
0x5: {  	_ = 	snop  }
0x6: {  	_ = 	snop  }
0x7: {  	_ = 	snop  }
__scs_overlays_trampoline_lowered:
0x8: {  	[smem:$0x3FA8] =	sst s0  }
0x9: {  	[smem:$0x3FA9] =	sst s1  }
0xa: {  	[smem:$0x3FAA] =	sst s2  }
0xb: {  	[smem:$0x3FAB] =	sst s3  }
0xc: {  	[smem:$0x3FAC] =	sst s4  }
0xd: {  	[smem:$0x3FAD] =	sst s5  }
0xe: {  	[smem:$0x3FAE] =	sst s6  }
0xf: {  	[smem:$0x3FAF] =	sst s7  }
0x10: {  	[smem:$0x3FB0] =	sst s8  }
0x11: {  	[smem:$0x3FB1] =	sst s9;
	s0 =	simm.s32 @!p0 $0x0  }
0x12: {  	s1 =	sld [smem:$0x3F97];
	s0 =	simm.s32 @p0 $0x1  }
0x13: {  	[smem:$0x3FB2] =	sst s0;
	s0 =	simm.s32 @!p1 $0x0  }
0x14: {  	s2 =	sld [smem:$0x3F96];
	s0 =	simm.s32 @p1 $0x1  }
0x15: {  	[smem:$0x3FB3] =	sst s0;
	s0 =	simm.s32 @!p2 $0x0  }
0x16: {  	s3 =	sld [smem:$0x3FDB];
	s0 =	simm.s32 @p2 $0x1  }
0x17: {  	s4 =	simm.s32 $0x1BF5;
	[smem:$0x3FB5] =	sst s0  }
0x18: {  	s0 =	sld [smem:$0x3F98];
	_ =	swait.ge [sflag:s4], $0x0  }
0x19: {  	s7 =	sld [smem:$0x3F99]  }
0x1a: {  	s8 =	sadd.s32 $0xFFFFE003, lr  }
0x1b: {  	s9 =	sadd.s32 $0xFFFFFEF7, lr;
	s5 =	simm.s32 $0xFFFFFFFF;
	p2 =	slt.u32 s8, $0xFFFFF086  }
0x1c: {  	p1 =	slt.u32 s9, $0xF7A;
	s5 =	simm.s32 @!p2 $0x0  }
0x1d: {  	s5 =	simm.s32 @p1 $0x1;
	p0 =	seq.s32 s7, s2  }
0x1e: {  	s7 =	smul.u32 @!p0 $0xF7A, s2;
	p2 =	seq.s32 @!p0 s5, $0x0  }
0x1f: {  	s9 =	smul.u32 $0xF7A, s1;
	s8 =	simm.s32 @!p0 $0x1BF5;
	p2 =	por !p2, p0  }
0x20: {  	[sflag:s8] =	ssyncset.s32 @!p0 $0xFFFFF086;
	s6 =	sadd.s32 @!p0 s3, s7;
	s7 =	simm.s32 @!p0 $0x108  }
0x21: {  	s3 =	sadd.s32 s3, s9;
	s6 =	sadd.s32 @!p0 $0x88, s6;
	s7 =	simm.s32 @p2 $0x1082  }
0x22: {  	[simem:s7], [sflag:s8] =	dma.local @!p0 [hbm:s6], $0xF7A  }
0x23: {  	s9 =	sor.u32 $0xD0000000, s2;
	s6 =	simm.s32 $0x108;
	_ =	swait.ge @!p0 [sflag:s8], $0x0  }
0x24: {  	s3 =	sadd.s32 $0x88, s3;
	s6 =	simm.s32 @!p1 $0x1082;
	[sflag:s4] =	ssyncset.s32 $0xFFFFF086  }
0x25: {  	[simem:s6], [sflag:s4] =	dma.local [hbm:s3], $0xF7A  }
0x26: {  	[smem:$0x3F99] =	sst s1;
	(tag) =	ssettag s2;
	_ =	strace s9  }
0x27: {  	s1 =	sld [smem:$0x3FA9]  }
0x28: {  	s2 =	sld [smem:$0x3FAA]  }
0x29: {  	s4 =	sld [smem:$0x3FAC]  }
0x2a: {  	p0 =	seq.s32 s5, $0x0;
	s5 =	sld [smem:$0x3FAD]  }
0x2b: {  	s6 =	sld [smem:$0x3FAE]  }
0x2c: {  	s7 =	sld [smem:$0x3FAF]  }
0x2d: {  	s3 =	simm.s32 $0x108;
	s8 =	sld [smem:$0x3FB0]  }
0x2e: {  	s3 =	simm.s32 @!p0 $0x1082;
	s9 =	sld [smem:$0x3FB1]  }
0x2f: {  	lr =	sadd.s32 s0, s3;
	s0 =	sld [smem:$0x3FA8]  }
0x30: {  	s3 =	sld [smem:$0x3FAB]  }
0x31: {  	[smem:$0x3FB4] =	sst s10  }
0x32: {  	s10 =	sld [smem:$0x3FB2];
	_ =	sdelay $0x3  }
0x33: {  	p0 =	seq.s32 s10, $0x1;
	s10 =	sld [smem:$0x3FB4];
	_ =	sdelay $0x3  }
0x34: {  	[smem:$0x3FB4] =	sst s10  }
0x35: {  	s10 =	sld [smem:$0x3FB3];
	_ =	sdelay $0x3  }
0x36: {  	p1 =	seq.s32 s10, $0x1;
	s10 =	sld [smem:$0x3FB4];
	_ =	sdelay $0x3  }
0x37: {  	[smem:$0x3FB4] =	sst s10  }
0x38: {  	s10 =	sld [smem:$0x3FB5]  }
0x39: {  	_ = 	snop;
	(pc) =	sbr.ind lr, $3  }
0x3a: {  	_ = 	snop  }
0x3b: {  	_ = 	snop  }
0x3c: {  	p2 =	seq.s32 s10, $0x1;
	s10 =	sld [smem:$0x3FB4]  }
0x3d: {  	_ =	shalt  }
0x3e: {  	_ =	shalt  }
0x3f: {  	_ =	shalt  }
0x40: {  	_ =	shalt  }
0x41: {  	_ =	shalt  }
0x42: {  	_ =	shalt  }
0x43: {  	_ =	shalt  }
0x44: {  	_ =	shalt  }
0x45: {  	_ =	shalt  }
0x46: {  	_ =	shalt  }
0x47: {  	_ =	shalt  }
0x48: {  	_ =	shalt  }
0x49: {  	_ =	shalt  }
0x4a: {  	_ =	shalt  }
0x4b: {  	_ =	shalt  }
0x4c: {  	_ =	shalt  }
0x4d: {  	_ =	shalt  }
0x4e: {  	_ =	shalt  }
0x4f: {  	_ =	shalt  }
0x50: {  	_ =	shalt  }
0x51: {  	_ =	shalt  }
0x52: {  	_ =	shalt  }
0x53: {  	_ =	shalt  }
0x54: {  	_ =	shalt  }
0x55: {  	_ =	shalt  }
0x56: {  	_ =	shalt  }
0x57: {  	_ =	shalt  }
0x58: {  	_ =	shalt  }
0x59: {  	_ =	shalt  }
0x5a: {  	_ =	shalt  }
0x5b: {  	_ =	shalt  }
0x5c: {  	_ =	shalt  }
0x5d: {  	_ =	shalt  }
0x5e: {  	_ =	shalt  }
0x5f: {  	_ =	shalt  }
0x60: {  	_ =	shalt  }
0x61: {  	_ =	shalt  }
0x62: {  	_ =	shalt  }
0x63: {  	_ =	shalt  }
0x64: {  	_ =	shalt  }
0x65: {  	_ =	shalt  }
0x66: {  	_ =	shalt  }
0x67: {  	_ =	shalt  }
0x68: {  	_ =	shalt  }
0x69: {  	_ =	shalt  }
0x6a: {  	_ =	shalt  }
0x6b: {  	_ =	shalt  }
0x6c: {  	_ =	shalt  }
0x6d: {  	_ =	shalt  }
0x6e: {  	_ =	shalt  }
0x6f: {  	_ =	shalt  }
0x70: {  	_ =	shalt  }
0x71: {  	_ =	shalt  }
0x72: {  	_ =	shalt  }
0x73: {  	_ =	shalt  }
0x74: {  	_ =	shalt  }
0x75: {  	_ =	shalt  }
0x76: {  	_ =	shalt  }
0x77: {  	_ =	shalt  }
0x78: {  	_ =	shalt  }
0x79: {  	_ =	shalt  }
0x7a: {  	_ =	shalt  }
0x7b: {  	_ =	shalt  }
0x7c: {  	_ =	shalt  }
0x7d: {  	_ =	shalt  }
0x7e: {  	_ =	shalt  }
0x7f: {  	_ =	shalt  }
0x80: {  	_ =	shalt  }
0x81: {  	_ =	shalt  }
0x82: {  	_ =	shalt  }
0x83: {  	_ =	shalt  }
0x84: {  	_ =	shalt  }
0x85: {  	_ =	shalt  }
0x86: {  	_ =	shalt  }
0x87: {  	_ =	shalt  }
.Lfunc_end0:
.L_simem_size_0:
called_computation_lowered:
.L_overlay_start_0:
0x88: {  	s2 =	sld [smem:$0x3FD9]  }
0x89: {  	s3 =	sld [smem:$0x3FFE];
	_ =	sdelay $0x1  }
0x8a: {  	s1 =	srdreg.scid  }
0x8b: {  	s0 =	sand.u32 $0x1, s1  }
0x8c: {  	s17 =	sshll.u32 s0, $0xA;
	s2 =	sadd.s32 s3, s2  }
0x8d: {  	s2 =	sadd.s32 s2, s17  }
0x8e: {  	[smem:$0x3FC0] =	sst s2  }
0x8f: {  	_ = 	snop  }
0x90: {  	s2 =	sld [smem:$0x3FC9]  }
0x91: {  	s18 =	sld [smem:$0x3FD0];
	(tm) =	ssettm $0x1  }
0x92: {  	s4 =	sld [smem:$0x3FFB];
	_ =	sdelay $0x3  }
0x93: {  	_ =	strace s4  }
0x94: {  	s4 =	sld [smem:$0x3FFC];
	_ =	sdelay $0x3  }
0x95: {  	_ =	strace s4  }
0x96: {  	s4 =	sld [smem:$0x3FFD];
	_ =	sdelay $0x3  }
0x97: {  	_ =	strace s4  }
0x98: {  	_ =	strace $0x8FFFFFFF  }
0x99: {  	s19 =	sld [smem:$0x3FDB];
	_ =	sdelay $0x1  }
0x9a: {  	s5 =	simm.s32 $_scs_section_size  }
0x9b: {  	s6 =	simm.s32 $_size__tile_overlayer_lowered;
	s7 =	simm.s32 $_tile_overlayer_lowered  }
0x9c: {  	s22 =	simm.s32 $0x1BFF;
	s21 =	sshll.u32 s7, $0x1;
	s4 =	sadd.s32 s5, s19  }
0x9d: {  	s8 =	simm.s32 $0x0;
	s20 =	sshll.u32 s6, $0x1;
	s6 =	sadd.s32 s21, s4  }
0x9e: {  	[timem:s8], [sflag:s22] =	dma.local [hbm:s6], s20  }
0x9f: {  	_ =	swait.ge [sflag:s22], s20  }
0xa0: {  	s5 =	ssub.s32 $0x0, s20;
	[sflag:s22] =	ssyncset.done $0x0  }
0xa1: {  	[sflag:s22] =	ssyncadd.s32 s5;
	_ =	sdelay $0x1  }
0xa2: {  	s23 =	simm.s32 $0x1B8B  }
0xa3: {  	_ =	swait.ge [sflag:s23], $0x1  }
0xa4: {  	[sflag:s23] =	ssyncset.done $0x0  }
0xa5: {  	s25 =	simm.s32 $0x1B8E;
	s24 =	sld [smem:$0x3FFE];
	[sflag:s23] =	ssyncadd.s32 $0xFFFFFFFF  }
0xa6: {  	s26 =	simm.s32 $execute0_lowered;
	[smem:$0x3FD2] =	sst s25  }
0xa7: {  	s6 =	sshll.u32 s26, $0x1;
	_ =	strace $0x80000046;
	[dreg:$0x1] =	wrdreg $0xFFFFFFFF  }
0xa8: {  	s28 =	simm.s32 $_size_execute0_lowered;
	s4 =	sadd.s32 s4, s6;
	[dreg:$0x0] =	wrdreg $0x0  }
0xa9: {  	s6 =	sshll.u32 s28, $0x1;
	[dreg:$0x2] =	wrdreg s4  }
0xaa: {  	[dreg:$0x3] =	wrdreg s6  }
0xab: {  	[dreg:$0x4] =	wrdreg $0xC0  }
0xac: {  	_ =	task [dreg:s8], $0x5FFFF  }
0xad: {  	[dreg:$0x1] =	wrdreg $0xFFFFFFFF  }
0xae: {  	[dreg:$0x0] =	wrdreg $0x60  }
0xaf: {  	[dreg:$0x2] =	wrdreg s2  }
0xb0: {  	[dreg:$0x3] =	wrdreg s18  }
0xb1: {  	[dreg:$0x4] =	wrdreg s24  }
0xb2: {  	[dreg:$0x5] =	wrdreg $0x9  }
0xb3: {  	_ =	task.clear_ibuf [dreg:s8], $0x6FFFF;
	_ =	strace $0x90000046  }
0xb4: {  	s29 =	simm.s32 $0x9;
	_ =	strace $0x80000048  }
0xb5: {  	_ =	swait.ge [sflag:s29], $0x1  }
0xb6: {  	[sflag:s29] =	ssyncadd.s32 $0xFFFFFFFF  }
0xb7: {  	_ =	strace $0x90000048  }
0xb8: {  	_ =	sfence  }
0xb9: {  	s30 =	sld [smem:$0x0];
	_ =	sdelay $0x2  }
0xba: {  	s31 =	sshll.u32 s1, $0xD;
	s1 =	sshrl.u32 s1, $0x2  }
0xbb: {  	s3 =	sand.u32 $0x4000, s31;
	s1 =	sadd.s32 s1, s30  }
0xbc: {  	s0 =	sor.u32 s3, s0;
	s1 =	sshll.u32 s1, $0x11  }
0xbd: {  	s0 =	sor.u32 s1, s0  }
0xbe: {  	s0 =	sadd.s32 $0x8F2B, s0  }
0xbf: {  	[sflag:s0] =	ssyncadd.remote.s32 $0x1  }
0xc0: {  	_ =	sfence.sel $0xFFFF  }
0xc1: {  	[dreg:$0x0] =	wrdreg $0xFFFFFFFF;
	(pc) =	sbr.abs _section_cstart, $3  }
0xc2: {  	[dreg:$0x1] =	wrdreg $0xFFFFFFFF  }
0xc3: {  	_ =	task.clear_ibuf [dreg:s8], $0x2FFFF;
	_ =	strace $0x9FFFFFFF  }
0xc4: {  	(tm) =	ssettm $0x7FFFFFFF  }
0xc5: {  	_ =	shalt  }
tec
execute0_lowered:
.L_overlay_start_1:
0x0: {  	(tag) =	ssettag $0x1  }
0x1: {  	s1 =	rddreg [dreg:$0x0]  }
0x2: {  	s0 =	rddreg [dreg:$0x1]  }
0x3: {  	s2 =	rddreg [dreg:$0x2];
	s3 =	srdreg.scid  }
0x4: {  	s5 =	stileid.u32;
	s29 =	simm.s32 $0x100;
	s30 =	simm.s32 $0x1200  }
0x5: {  	s31 =	simm.s32 $0x1A00;
	s13 =	simm.s32 $0x3200;
	s14 =	simm.s32 $0x3A00  }
0x6: {  	s15 =	simm.s32 $0x4200;
	s16 =	simm.s32 $0x4A00;
	s17 =	simm.s32 $0x5200  }
0x7: {  	s18 =	simm.s32 $0x5A00;
	s19 =	simm.s32 $0x6200;
	s20 =	simm.s32 $0x6A00  }
0x8: {  	s21 =	simm.s32 $0x7200;
	s22 =	simm.s32 $0x7A00;
	s23 =	simm.s32 $0x8200  }
0x9: {  	s24 =	simm.s32 $0x8A00;
	s25 =	simm.s32 $0x9A00;
	s26 =	simm.s32 $0xA200  }
0xa: {  	s4 =	sand.u32 $0x1, s3;
	s3 =	simm.s32 $0x0;
	s5 =	sshll.u32 s5, $0x6  }
0xb: {  	s9 =	sadd.s32 $0x2000, s2;
	s10 =	sadd.s32 $0x2100, s2;
	s6 =	sshll.u32 s4, $0x5  }
0xc: {  	[smem:$0x7FF] =	sst s3;
	s7 =	ssub.s32 $0x2, s4;
	s4 =	sadd.s32 $0x1E00, s2  }
0xd: {  	s5 =	sor.u32 s6, s5;
	_ =	strace $0x80000047;
	s8 =	sshrl.u32 s7, $0x1  }
0xe: {  	[dreg:$0x6] =	wrdreg s29;
	s6 =	sadd.s32 s5, s2;
	s0 =	sadd.s32 s0, s5  }
0xf: {  	v2 =	vlaneseq.u32;
	s11 =	ssub.s32 s7, s8;
	s5 =	sadd.s32 $0x100, s1;
	s7 =	sadd.s32 $0x300, s1  }
0x10: {  	vm0 =	vmmov $0xffff;
	v1 =	vshrl.u32 v2, $0x3;
	s8 =	sadd.s32 $0x1F00, s2;
	[dreg:$0x4] =	wrdreg s0;
	s28 =	sadd.s32 $0x1A00, s6  }
0x11: {  	v0 =	vand.u32 $0x7, v2;
	v2 =	vor.u32 $0x8, v2;
	v1 =	vmul.u32 $0x8, v1;
	s6 =	sadd.s32 $0x200, s1;
	s2 =	smax.u32 s11, $0x1;
	[dreg:$0x5] =	wrdreg s28  }
.LBB2_1:
0x12: {  	s28 =	rddreg [dreg:$0x4];
	s0 =	simm.s32 $0x3  }
0x13: {  	[tilespmem:s3], [sflag:$0x3] =	stream.linear.gather [hbm4b:s28+s3], $0x100, $0x38;
	[tilespmem:$0x10200] =	vst v63  }
0x14: {  	_ =	swait.ge [sflag:s0], $0x100  }
0x15: {  	s11 =	rddreg [dreg:$0x5];
	[sflag:s0] =	ssyncset.done $0x0  }
0x16: {  	s29 =	rddreg [dreg:$0x6];
	[sflag:s0] =	ssyncadd.s32 $0xFFFFFF00  }
0x17: {  	[tilespmem:s29], [sflag:$0x3] =	stream.linear.gather [hbm4b:s11+s3], $0x100, $0x38;
	[tilespmem:$0x10200] =	vst v63  }
0x18: {  	_ =	swait.ge [sflag:s0], $0x100  }
0x19: {  	[sflag:s0] =	ssyncset.done $0x0  }
0x1a: {  	[sflag:s0] =	ssyncadd.s32 $0xFFFFFF00  }
0x1b: {  	v3 =	vld [tilespmem:$0x0];
	_ =	sdelay $0x4  }
0x1c: {  	v4 =	vshll.u32 v3, $0x3  }
0x1d: {  	v3 =	vand.u32 $0x7, v3;
	v4 =	vand.u32 $0xFFFFFFC0, v4  }
0x1e: {  	v3 =	vor.u32 v3, v4  }
0x1f: {  	v4 =	vperm.xlane v3, v0;
	_ =	sdelay $0x1  }
0x20: {  	v4 =	vadd.s32 v1, v4;
	_ =	sdelay $0x3  }
0x21: {  	s28 =	simm.s32 $0x200  }
0x22: {  	[tilespmem:s28], [sflag:$0x1] =	stream.indirect_vreg.gather [hbm4b:s1+s3], $0x80, v4, vm0, $0xb8;
	[tilespmem:$0x10200] =	vst v63  }
0x23: {  	s29 =	simm.s32 $0xA00;
	v3 =	vperm.xlane v3, v2  }
0x24: {  	[tilespmem:s29], [sflag:$0x1] =	stream.indirect_vreg.gather [hbm4b:s5+s3], $0x80, v4, vm0, $0xb8;
	[tilespmem:$0x10200] =	vst v63  }
0x25: {  	v3 =	vadd.s32 v1, v3  }
0x26: {  	[tilespmem:s30], [sflag:$0x1] =	stream.indirect_vreg.gather [hbm4b:s6+s3], $0x80, v4, vm0, $0xb8;
	[tilespmem:$0x10200] =	vst v63  }
0x27: {  	_ = 	snop  }
0x28: {  	[tilespmem:s31], [sflag:$0x1] =	stream.indirect_vreg.gather [hbm4b:s7+s3], $0x80, v4, vm0, $0xb8;
	[tilespmem:$0x10200] =	vst v63  }
0x29: {  	s12 =	simm.s32 $0x2200  }
0x2a: {  	[tilespmem:s12], [sflag:$0x1] =	stream.indirect_vreg.gather [hbm4b:s1+s3], $0x80, v3, vm0, $0xb8;
	[tilespmem:$0x10200] =	vst v63  }
0x2b: {  	s11 =	simm.s32 $0x2A00  }
0x2c: {  	[tilespmem:s11], [sflag:$0x1] =	stream.indirect_vreg.gather [hbm4b:s5+s3], $0x80, v3, vm0, $0xb8;
	[tilespmem:$0x10200] =	vst v63  }
0x2d: {  	_ = 	snop  }
0x2e: {  	[tilespmem:s13], [sflag:$0x1] =	stream.indirect_vreg.gather [hbm4b:s6+s3], $0x80, v3, vm0, $0xb8;
	[tilespmem:$0x10200] =	vst v63  }
0x2f: {  	_ = 	snop  }
0x30: {  	[tilespmem:s14], [sflag:$0x1] =	stream.indirect_vreg.gather [hbm4b:s7+s3], $0x80, v3, vm0, $0xb8;
	[tilespmem:$0x10200] =	vst v63  }
0x31: {  	v3 =	vld [tilespmem:$0x10];
	_ =	sdelay $0x4  }
0x32: {  	v49 =	vshll.u32 v3, $0x3  }
0x33: {  	v3 =	vand.u32 $0x7, v3;
	v4 =	vand.u32 $0xFFFFFFC0, v49  }
0x34: {  	v3 =	vor.u32 v3, v4  }
0x35: {  	v4 =	vperm.xlane v3, v0;
	_ =	sdelay $0x1  }
0x36: {  	v4 =	vadd.s32 v1, v4;
	_ =	sdelay $0x4  }
0x37: {  	[tilespmem:s15], [sflag:$0x1] =	stream.indirect_vreg.gather [hbm4b:s1+s3], $0x80, v4, vm0, $0xb8;
	[tilespmem:$0x10200] =	vst v63  }
0x38: {  	v3 =	vperm.xlane v3, v2  }
0x39: {  	[tilespmem:s16], [sflag:$0x1] =	stream.indirect_vreg.gather [hbm4b:s5+s3], $0x80, v4, vm0, $0xb8;
	[tilespmem:$0x10200] =	vst v63  }
0x3a: {  	v3 =	vadd.s32 v1, v3  }
0x3b: {  	[tilespmem:s17], [sflag:$0x1] =	stream.indirect_vreg.gather [hbm4b:s6+s3], $0x80, v4, vm0, $0xb8;
	[tilespmem:$0x10200] =	vst v63  }
0x3c: {  	_ = 	snop  }
0x3d: {  	[tilespmem:s18], [sflag:$0x1] =	stream.indirect_vreg.gather [hbm4b:s7+s3], $0x80, v4, vm0, $0xb8;
	[tilespmem:$0x10200] =	vst v63  }
0x3e: {  	_ = 	snop  }
0x3f: {  	[tilespmem:s19], [sflag:$0x1] =	stream.indirect_vreg.gather [hbm4b:s1+s3], $0x80, v3, vm0, $0xb8;
	[tilespmem:$0x10200] =	vst v63  }
0x40: {  	_ = 	snop  }
0x41: {  	[tilespmem:s20], [sflag:$0x1] =	stream.indirect_vreg.gather [hbm4b:s5+s3], $0x80, v3, vm0, $0xb8;
	[tilespmem:$0x10200] =	vst v63  }
0x42: {  	_ = 	snop  }
0x43: {  	[tilespmem:s21], [sflag:$0x1] =	stream.indirect_vreg.gather [hbm4b:s6+s3], $0x80, v3, vm0, $0xb8;
	[tilespmem:$0x10200] =	vst v63  }
0x44: {  	_ = 	snop  }
0x45: {  	[tilespmem:s22], [sflag:$0x1] =	stream.indirect_vreg.gather [hbm4b:s7+s3], $0x80, v3, vm0, $0xb8;
	[tilespmem:$0x10200] =	vst v63  }
0x46: {  	v3 =	vld [tilespmem:$0x20];
	_ =	sdelay $0x4  }
0x47: {  	v50 =	vshll.u32 v3, $0x3  }
0x48: {  	v3 =	vand.u32 $0x7, v3;
	v4 =	vand.u32 $0xFFFFFFC0, v50  }
0x49: {  	v3 =	vor.u32 v3, v4  }
0x4a: {  	v4 =	vperm.xlane v3, v0;
	_ =	sdelay $0x1  }
0x4b: {  	v4 =	vadd.s32 v1, v4;
	_ =	sdelay $0x4  }
0x4c: {  	[tilespmem:s23], [sflag:$0x1] =	stream.indirect_vreg.gather [hbm4b:s1+s3], $0x80, v4, vm0, $0xb8;
	[tilespmem:$0x10200] =	vst v63  }
0x4d: {  	v3 =	vperm.xlane v3, v2  }
0x4e: {  	[tilespmem:s24], [sflag:$0x1] =	stream.indirect_vreg.gather [hbm4b:s5+s3], $0x80, v4, vm0, $0xb8;
	[tilespmem:$0x10200] =	vst v63  }
0x4f: {  	s11 =	simm.s32 $0x9200;
	v3 =	vadd.s32 v1, v3  }
0x50: {  	[tilespmem:s11], [sflag:$0x1] =	stream.indirect_vreg.gather [hbm4b:s6+s3], $0x80, v4, vm0, $0xb8;
	[tilespmem:$0x10200] =	vst v63  }
0x51: {  	_ = 	snop  }
0x52: {  	[tilespmem:s25], [sflag:$0x1] =	stream.indirect_vreg.gather [hbm4b:s7+s3], $0x80, v4, vm0, $0xb8;
	[tilespmem:$0x10200] =	vst v63  }
0x53: {  	_ = 	snop  }
0x54: {  	[tilespmem:s26], [sflag:$0x1] =	stream.indirect_vreg.gather [hbm4b:s1+s3], $0x80, v3, vm0, $0xb8;
	[tilespmem:$0x10200] =	vst v63  }
0x55: {  	s11 =	simm.s32 $0xAA00  }
0x56: {  	[tilespmem:s11], [sflag:$0x1] =	stream.indirect_vreg.gather [hbm4b:s5+s3], $0x80, v3, vm0, $0xb8;
	[tilespmem:$0x10200] =	vst v63  }
0x57: {  	s11 =	simm.s32 $0xB200  }
0x58: {  	[tilespmem:s11], [sflag:$0x1] =	stream.indirect_vreg.gather [hbm4b:s6+s3], $0x80, v3, vm0, $0xb8;
	[tilespmem:$0x10200] =	vst v63  }
0x59: {  	s11 =	simm.s32 $0xBA00  }
0x5a: {  	[tilespmem:s11], [sflag:$0x1] =	stream.indirect_vreg.gather [hbm4b:s7+s3], $0x80, v3, vm0, $0xb8;
	[tilespmem:$0x10200] =	vst v63  }
0x5b: {  	v3 =	vld [tilespmem:$0x30];
	_ =	sdelay $0x4  }
0x5c: {  	v51 =	vshll.u32 v3, $0x3  }
0x5d: {  	v3 =	vand.u32 $0x7, v3;
	v4 =	vand.u32 $0xFFFFFFC0, v51  }
0x5e: {  	v3 =	vor.u32 v3, v4  }
0x5f: {  	v4 =	vperm.xlane v3, v0;
	_ =	sdelay $0x1  }
0x60: {  	v4 =	vadd.s32 v1, v4;
	_ =	sdelay $0x3  }
0x61: {  	s11 =	simm.s32 $0xC200  }
0x62: {  	[tilespmem:s11], [sflag:$0x1] =	stream.indirect_vreg.gather [hbm4b:s1+s3], $0x80, v4, vm0, $0xb8;
	[tilespmem:$0x10200] =	vst v63  }
0x63: {  	v3 =	vperm.xlane v3, v2;
	s11 =	simm.s32 $0xCA00  }
0x64: {  	[tilespmem:s11], [sflag:$0x1] =	stream.indirect_vreg.gather [hbm4b:s5+s3], $0x80, v4, vm0, $0xb8;
	[tilespmem:$0x10200] =	vst v63  }
0x65: {  	v3 =	vadd.s32 v1, v3;
	s11 =	simm.s32 $0xD200  }
0x66: {  	[tilespmem:s11], [sflag:$0x1] =	stream.indirect_vreg.gather [hbm4b:s6+s3], $0x80, v4, vm0, $0xb8;
	[tilespmem:$0x10200] =	vst v63  }
0x67: {  	s11 =	simm.s32 $0xDA00  }
0x68: {  	[tilespmem:s11], [sflag:$0x1] =	stream.indirect_vreg.gather [hbm4b:s7+s3], $0x80, v4, vm0, $0xb8;
	[tilespmem:$0x10200] =	vst v63  }
0x69: {  	s11 =	simm.s32 $0xE200  }
0x6a: {  	[tilespmem:s11], [sflag:$0x1] =	stream.indirect_vreg.gather [hbm4b:s1+s3], $0x80, v3, vm0, $0xb8;
	[tilespmem:$0x10200] =	vst v63  }
0x6b: {  	s11 =	simm.s32 $0xEA00  }
0x6c: {  	[tilespmem:s11], [sflag:$0x1] =	stream.indirect_vreg.gather [hbm4b:s5+s3], $0x80, v3, vm0, $0xb8;
	[tilespmem:$0x10200] =	vst v63  }
0x6d: {  	s11 =	simm.s32 $0xF200  }
0x6e: {  	[tilespmem:s11], [sflag:$0x1] =	stream.indirect_vreg.gather [hbm4b:s6+s3], $0x80, v3, vm0, $0xb8;
	[tilespmem:$0x10200] =	vst v63  }
0x6f: {  	s0 =	simm.s32 $0x1;
	s11 =	simm.s32 $0xFA00  }
0x70: {  	[tilespmem:s11], [sflag:$0x1] =	stream.indirect_vreg.gather [hbm4b:s7+s3], $0x80, v3, vm0, $0xb8;
	[tilespmem:$0x10200] =	vst v63  }
0x71: {  	_ =	swait.ge [sflag:s0], $0x10000  }
0x72: {  	[sflag:s0] =	ssyncset.done $0x0  }
0x73: {  	[sflag:s0] =	ssyncadd.s32 $0xFFFF0000  }
0x74: {  	v3 =	vld [tilespmem:$0x100];
	_ =	sdelay $0x4  }
0x75: {  	v52 =	vshll.u32 v3, $0x3  }
0x76: {  	v3 =	vand.u32 $0x7, v3;
	v4 =	vand.u32 $0xFFFFFFC0, v52  }
0x77: {  	v3 =	vor.u32 v3, v4  }
0x78: {  	v4 =	vperm.xlane v3, v0;
	_ =	sdelay $0x1  }
0x79: {  	v4 =	vadd.s32 v1, v4;
	_ =	sdelay $0x4  }
0x7a: {  	[hbm4b:s4+s3] =	stream.indirect_vreg.scatter [tilespmem:s28], [sflag:$0x2], $0x80, v4, vm0, $0xb8;
	[tilespmem:$0x10200] =	vst v63  }
0x7b: {  	v3 =	vperm.xlane v3, v2  }
0x7c: {  	[hbm4b:s8+s3] =	stream.indirect_vreg.scatter [tilespmem:s29], [sflag:$0x2], $0x80, v4, vm0, $0xb8;
	[tilespmem:$0x10200] =	vst v63  }
0x7d: {  	v3 =	vadd.s32 v1, v3  }
0x7e: {  	[hbm4b:s9+s3] =	stream.indirect_vreg.scatter [tilespmem:s30], [sflag:$0x2], $0x80, v4, vm0, $0xb8;
	[tilespmem:$0x10200] =	vst v63  }
0x7f: {  	_ = 	snop  }
0x80: {  	[hbm4b:s10+s3] =	stream.indirect_vreg.scatter [tilespmem:s31], [sflag:$0x2], $0x80, v4, vm0, $0xb8;
	[tilespmem:$0x10200] =	vst v63  }
0x81: {  	s12 =	simm.s32 $0x2200  }
0x82: {  	[hbm4b:s4+s3] =	stream.indirect_vreg.scatter [tilespmem:s12], [sflag:$0x2], $0x80, v3, vm0, $0xb8;
	[tilespmem:$0x10200] =	vst v63  }
0x83: {  	s11 =	simm.s32 $0x2A00  }
0x84: {  	[hbm4b:s8+s3] =	stream.indirect_vreg.scatter [tilespmem:s11], [sflag:$0x2], $0x80, v3, vm0, $0xb8;
	[tilespmem:$0x10200] =	vst v63  }
0x85: {  	_ = 	snop  }
0x86: {  	[hbm4b:s9+s3] =	stream.indirect_vreg.scatter [tilespmem:s13], [sflag:$0x2], $0x80, v3, vm0, $0xb8;
	[tilespmem:$0x10200] =	vst v63  }
0x87: {  	_ = 	snop  }
0x88: {  	[hbm4b:s10+s3] =	stream.indirect_vreg.scatter [tilespmem:s14], [sflag:$0x2], $0x80, v3, vm0, $0xb8;
	[tilespmem:$0x10200] =	vst v63  }
0x89: {  	v3 =	vld [tilespmem:$0x110];
	_ =	sdelay $0x4  }
0x8a: {  	v53 =	vshll.u32 v3, $0x3  }
0x8b: {  	v3 =	vand.u32 $0x7, v3;
	v4 =	vand.u32 $0xFFFFFFC0, v53  }
0x8c: {  	v3 =	vor.u32 v3, v4  }
0x8d: {  	v4 =	vperm.xlane v3, v0;
	_ =	sdelay $0x1  }
0x8e: {  	v4 =	vadd.s32 v1, v4;
	_ =	sdelay $0x4  }
0x8f: {  	[hbm4b:s4+s3] =	stream.indirect_vreg.scatter [tilespmem:s15], [sflag:$0x2], $0x80, v4, vm0, $0xb8;
	[tilespmem:$0x10200] =	vst v63  }
0x90: {  	v3 =	vperm.xlane v3, v2  }
0x91: {  	[hbm4b:s8+s3] =	stream.indirect_vreg.scatter [tilespmem:s16], [sflag:$0x2], $0x80, v4, vm0, $0xb8;
	[tilespmem:$0x10200] =	vst v63  }
0x92: {  	v3 =	vadd.s32 v1, v3  }
0x93: {  	[hbm4b:s9+s3] =	stream.indirect_vreg.scatter [tilespmem:s17], [sflag:$0x2], $0x80, v4, vm0, $0xb8;
	[tilespmem:$0x10200] =	vst v63  }
0x94: {  	_ = 	snop  }
0x95: {  	[hbm4b:s10+s3] =	stream.indirect_vreg.scatter [tilespmem:s18], [sflag:$0x2], $0x80, v4, vm0, $0xb8;
	[tilespmem:$0x10200] =	vst v63  }
0x96: {  	_ = 	snop  }
0x97: {  	[hbm4b:s4+s3] =	stream.indirect_vreg.scatter [tilespmem:s19], [sflag:$0x2], $0x80, v3, vm0, $0xb8;
	[tilespmem:$0x10200] =	vst v63  }
0x98: {  	_ = 	snop  }
0x99: {  	[hbm4b:s8+s3] =	stream.indirect_vreg.scatter [tilespmem:s20], [sflag:$0x2], $0x80, v3, vm0, $0xb8;
	[tilespmem:$0x10200] =	vst v63  }
0x9a: {  	_ = 	snop  }
0x9b: {  	[hbm4b:s9+s3] =	stream.indirect_vreg.scatter [tilespmem:s21], [sflag:$0x2], $0x80, v3, vm0, $0xb8;
	[tilespmem:$0x10200] =	vst v63  }
0x9c: {  	_ = 	snop  }
0x9d: {  	[hbm4b:s10+s3] =	stream.indirect_vreg.scatter [tilespmem:s22], [sflag:$0x2], $0x80, v3, vm0, $0xb8;
	[tilespmem:$0x10200] =	vst v63  }
0x9e: {  	v3 =	vld [tilespmem:$0x120];
	_ =	sdelay $0x4  }
0x9f: {  	v54 =	vshll.u32 v3, $0x3  }
0xa0: {  	v3 =	vand.u32 $0x7, v3;
	v4 =	vand.u32 $0xFFFFFFC0, v54  }
0xa1: {  	v3 =	vor.u32 v3, v4  }
0xa2: {  	v4 =	vperm.xlane v3, v0;
	_ =	sdelay $0x1  }
0xa3: {  	v4 =	vadd.s32 v1, v4;
	_ =	sdelay $0x4  }
0xa4: {  	[hbm4b:s4+s3] =	stream.indirect_vreg.scatter [tilespmem:s23], [sflag:$0x2], $0x80, v4, vm0, $0xb8;
	[tilespmem:$0x10200] =	vst v63  }
0xa5: {  	v3 =	vperm.xlane v3, v2  }
0xa6: {  	[hbm4b:s8+s3] =	stream.indirect_vreg.scatter [tilespmem:s24], [sflag:$0x2], $0x80, v4, vm0, $0xb8;
	[tilespmem:$0x10200] =	vst v63  }
0xa7: {  	s11 =	simm.s32 $0x9200;
	v3 =	vadd.s32 v1, v3  }
0xa8: {  	[hbm4b:s9+s3] =	stream.indirect_vreg.scatter [tilespmem:s11], [sflag:$0x2], $0x80, v4, vm0, $0xb8;
	[tilespmem:$0x10200] =	vst v63  }
0xa9: {  	_ = 	snop  }
0xaa: {  	[hbm4b:s10+s3] =	stream.indirect_vreg.scatter [tilespmem:s25], [sflag:$0x2], $0x80, v4, vm0, $0xb8;
	[tilespmem:$0x10200] =	vst v63  }
0xab: {  	_ = 	snop  }
0xac: {  	[hbm4b:s4+s3] =	stream.indirect_vreg.scatter [tilespmem:s26], [sflag:$0x2], $0x80, v3, vm0, $0xb8;
	[tilespmem:$0x10200] =	vst v63  }
0xad: {  	s11 =	simm.s32 $0xAA00  }
0xae: {  	[hbm4b:s8+s3] =	stream.indirect_vreg.scatter [tilespmem:s11], [sflag:$0x2], $0x80, v3, vm0, $0xb8;
	[tilespmem:$0x10200] =	vst v63  }
0xaf: {  	s11 =	simm.s32 $0xB200  }
0xb0: {  	[hbm4b:s9+s3] =	stream.indirect_vreg.scatter [tilespmem:s11], [sflag:$0x2], $0x80, v3, vm0, $0xb8;
	[tilespmem:$0x10200] =	vst v63  }
0xb1: {  	s11 =	simm.s32 $0xBA00  }
0xb2: {  	[hbm4b:s10+s3] =	stream.indirect_vreg.scatter [tilespmem:s11], [sflag:$0x2], $0x80, v3, vm0, $0xb8;
	[tilespmem:$0x10200] =	vst v63  }
0xb3: {  	v3 =	vld [tilespmem:$0x130];
	_ =	sdelay $0x4  }
0xb4: {  	v55 =	vshll.u32 v3, $0x3  }
0xb5: {  	v3 =	vand.u32 $0x7, v3;
	v4 =	vand.u32 $0xFFFFFFC0, v55  }
0xb6: {  	v3 =	vor.u32 v3, v4  }
0xb7: {  	v4 =	vperm.xlane v3, v0;
	_ =	sdelay $0x1  }
0xb8: {  	v4 =	vadd.s32 v1, v4;
	_ =	sdelay $0x3  }
0xb9: {  	s11 =	simm.s32 $0xC200  }
0xba: {  	[hbm4b:s4+s3] =	stream.indirect_vreg.scatter [tilespmem:s11], [sflag:$0x2], $0x80, v4, vm0, $0xb8;
	[tilespmem:$0x10200] =	vst v63  }
0xbb: {  	v3 =	vperm.xlane v3, v2;
	s11 =	simm.s32 $0xCA00  }
0xbc: {  	[hbm4b:s8+s3] =	stream.indirect_vreg.scatter [tilespmem:s11], [sflag:$0x2], $0x80, v4, vm0, $0xb8;
	[tilespmem:$0x10200] =	vst v63  }
0xbd: {  	v3 =	vadd.s32 v1, v3;
	s11 =	simm.s32 $0xD200  }
0xbe: {  	[hbm4b:s9+s3] =	stream.indirect_vreg.scatter [tilespmem:s11], [sflag:$0x2], $0x80, v4, vm0, $0xb8;
	[tilespmem:$0x10200] =	vst v63  }
0xbf: {  	s11 =	simm.s32 $0xDA00  }
0xc0: {  	[hbm4b:s10+s3] =	stream.indirect_vreg.scatter [tilespmem:s11], [sflag:$0x2], $0x80, v4, vm0, $0xb8;
	[tilespmem:$0x10200] =	vst v63  }
0xc1: {  	s11 =	simm.s32 $0xE200  }
0xc2: {  	[hbm4b:s4+s3] =	stream.indirect_vreg.scatter [tilespmem:s11], [sflag:$0x2], $0x80, v3, vm0, $0xb8;
	[tilespmem:$0x10200] =	vst v63  }
0xc3: {  	s11 =	simm.s32 $0xEA00  }
0xc4: {  	[hbm4b:s8+s3] =	stream.indirect_vreg.scatter [tilespmem:s11], [sflag:$0x2], $0x80, v3, vm0, $0xb8;
	[tilespmem:$0x10200] =	vst v63  }
0xc5: {  	s11 =	simm.s32 $0xF200  }
0xc6: {  	[hbm4b:s9+s3] =	stream.indirect_vreg.scatter [tilespmem:s11], [sflag:$0x2], $0x80, v3, vm0, $0xb8;
	[tilespmem:$0x10200] =	vst v63  }
0xc7: {  	s11 =	simm.s32 $0xFA00  }
0xc8: {  	[hbm4b:s10+s3] =	stream.indirect_vreg.scatter [tilespmem:s11], [sflag:$0x2], $0x80, v3, vm0, $0xb8;
	[tilespmem:$0x10200] =	vst v63  }
0xc9: {  	s11 =	simm.s32 $0x2  }
0xca: {  	_ =	swait.ge [sflag:s11], $0x10000  }
0xcb: {  	[sflag:s11] =	ssyncset.done $0x0  }
0xcc: {  	[sflag:s11] =	ssyncadd.s32 $0xFFFF0000  }
0xcd: {  	v3 =	vld [tilespmem:$0x80];
	_ =	sdelay $0x4  }
0xce: {  	v56 =	vshll.u32 v3, $0x3  }
0xcf: {  	v3 =	vand.u32 $0x7, v3;
	v4 =	vand.u32 $0xFFFFFFC0, v56  }
0xd0: {  	v3 =	vor.u32 v3, v4  }
0xd1: {  	v4 =	vperm.xlane v3, v0;
	_ =	sdelay $0x1  }
0xd2: {  	v4 =	vadd.s32 v1, v4;
	_ =	sdelay $0x4  }
0xd3: {  	[tilespmem:s28], [sflag:$0x1] =	stream.indirect_vreg.gather [hbm4b:s1+s3], $0x80, v4, vm0, $0xb8;
	[tilespmem:$0x10200] =	vst v63  }
0xd4: {  	v3 =	vperm.xlane v3, v2  }
0xd5: {  	[tilespmem:s29], [sflag:$0x1] =	stream.indirect_vreg.gather [hbm4b:s5+s3], $0x80, v4, vm0, $0xb8;
	[tilespmem:$0x10200] =	vst v63  }
0xd6: {  	v3 =	vadd.s32 v1, v3  }
0xd7: {  	[tilespmem:s30], [sflag:$0x1] =	stream.indirect_vreg.gather [hbm4b:s6+s3], $0x80, v4, vm0, $0xb8;
	[tilespmem:$0x10200] =	vst v63  }
0xd8: {  	_ = 	snop  }
0xd9: {  	[tilespmem:s31], [sflag:$0x1] =	stream.indirect_vreg.gather [hbm4b:s7+s3], $0x80, v4, vm0, $0xb8;
	[tilespmem:$0x10200] =	vst v63  }
0xda: {  	s12 =	simm.s32 $0x2200  }
0xdb: {  	[tilespmem:s12], [sflag:$0x1] =	stream.indirect_vreg.gather [hbm4b:s1+s3], $0x80, v3, vm0, $0xb8;
	[tilespmem:$0x10200] =	vst v63  }
0xdc: {  	s12 =	simm.s32 $0x2A00  }
0xdd: {  	[tilespmem:s12], [sflag:$0x1] =	stream.indirect_vreg.gather [hbm4b:s5+s3], $0x80, v3, vm0, $0xb8;
	[tilespmem:$0x10200] =	vst v63  }
0xde: {  	_ = 	snop  }
0xdf: {  	[tilespmem:s13], [sflag:$0x1] =	stream.indirect_vreg.gather [hbm4b:s6+s3], $0x80, v3, vm0, $0xb8;
	[tilespmem:$0x10200] =	vst v63  }
0xe0: {  	_ = 	snop  }
0xe1: {  	[tilespmem:s14], [sflag:$0x1] =	stream.indirect_vreg.gather [hbm4b:s7+s3], $0x80, v3, vm0, $0xb8;
	[tilespmem:$0x10200] =	vst v63  }
0xe2: {  	v3 =	vld [tilespmem:$0x90];
	_ =	sdelay $0x4  }
0xe3: {  	v57 =	vshll.u32 v3, $0x3  }
0xe4: {  	v3 =	vand.u32 $0x7, v3;
	v4 =	vand.u32 $0xFFFFFFC0, v57  }
0xe5: {  	v3 =	vor.u32 v3, v4  }
0xe6: {  	v4 =	vperm.xlane v3, v0;
	_ =	sdelay $0x1  }
0xe7: {  	v4 =	vadd.s32 v1, v4;
	_ =	sdelay $0x4  }
0xe8: {  	[tilespmem:s15], [sflag:$0x1] =	stream.indirect_vreg.gather [hbm4b:s1+s3], $0x80, v4, vm0, $0xb8;
	[tilespmem:$0x10200] =	vst v63  }
0xe9: {  	v3 =	vperm.xlane v3, v2  }
0xea: {  	[tilespmem:s16], [sflag:$0x1] =	stream.indirect_vreg.gather [hbm4b:s5+s3], $0x80, v4, vm0, $0xb8;
	[tilespmem:$0x10200] =	vst v63  }
0xeb: {  	v3 =	vadd.s32 v1, v3  }
0xec: {  	[tilespmem:s17], [sflag:$0x1] =	stream.indirect_vreg.gather [hbm4b:s6+s3], $0x80, v4, vm0, $0xb8;
	[tilespmem:$0x10200] =	vst v63  }
0xed: {  	_ = 	snop  }
0xee: {  	[tilespmem:s18], [sflag:$0x1] =	stream.indirect_vreg.gather [hbm4b:s7+s3], $0x80, v4, vm0, $0xb8;
	[tilespmem:$0x10200] =	vst v63  }
0xef: {  	_ = 	snop  }
0xf0: {  	[tilespmem:s19], [sflag:$0x1] =	stream.indirect_vreg.gather [hbm4b:s1+s3], $0x80, v3, vm0, $0xb8;
	[tilespmem:$0x10200] =	vst v63  }
0xf1: {  	_ = 	snop  }
0xf2: {  	[tilespmem:s20], [sflag:$0x1] =	stream.indirect_vreg.gather [hbm4b:s5+s3], $0x80, v3, vm0, $0xb8;
	[tilespmem:$0x10200] =	vst v63  }
0xf3: {  	_ = 	snop  }
0xf4: {  	[tilespmem:s21], [sflag:$0x1] =	stream.indirect_vreg.gather [hbm4b:s6+s3], $0x80, v3, vm0, $0xb8;
	[tilespmem:$0x10200] =	vst v63  }
0xf5: {  	_ = 	snop  }
0xf6: {  	[tilespmem:s22], [sflag:$0x1] =	stream.indirect_vreg.gather [hbm4b:s7+s3], $0x80, v3, vm0, $0xb8;
	[tilespmem:$0x10200] =	vst v63  }
0xf7: {  	v3 =	vld [tilespmem:$0xA0];
	_ =	sdelay $0x4  }
0xf8: {  	v58 =	vshll.u32 v3, $0x3  }
0xf9: {  	v3 =	vand.u32 $0x7, v3;
	v4 =	vand.u32 $0xFFFFFFC0, v58  }
0xfa: {  	v3 =	vor.u32 v3, v4  }
0xfb: {  	v4 =	vperm.xlane v3, v0;
	_ =	sdelay $0x1  }
0xfc: {  	v4 =	vadd.s32 v1, v4;
	_ =	sdelay $0x4  }
0xfd: {  	[tilespmem:s23], [sflag:$0x1] =	stream.indirect_vreg.gather [hbm4b:s1+s3], $0x80, v4, vm0, $0xb8;
	[tilespmem:$0x10200] =	vst v63  }
0xfe: {  	v3 =	vperm.xlane v3, v2  }
0xff: {  	[tilespmem:s24], [sflag:$0x1] =	stream.indirect_vreg.gather [hbm4b:s5+s3], $0x80, v4, vm0, $0xb8;
	[tilespmem:$0x10200] =	vst v63  }
0x100: {  	s12 =	simm.s32 $0x9200;
	v3 =	vadd.s32 v1, v3  }
0x101: {  	[tilespmem:s12], [sflag:$0x1] =	stream.indirect_vreg.gather [hbm4b:s6+s3], $0x80, v4, vm0, $0xb8;
	[tilespmem:$0x10200] =	vst v63  }
0x102: {  	_ = 	snop  }
0x103: {  	[tilespmem:s25], [sflag:$0x1] =	stream.indirect_vreg.gather [hbm4b:s7+s3], $0x80, v4, vm0, $0xb8;
	[tilespmem:$0x10200] =	vst v63  }
0x104: {  	_ = 	snop  }
0x105: {  	[tilespmem:s26], [sflag:$0x1] =	stream.indirect_vreg.gather [hbm4b:s1+s3], $0x80, v3, vm0, $0xb8;
	[tilespmem:$0x10200] =	vst v63  }
0x106: {  	s12 =	simm.s32 $0xAA00  }
0x107: {  	[tilespmem:s12], [sflag:$0x1] =	stream.indirect_vreg.gather [hbm4b:s5+s3], $0x80, v3, vm0, $0xb8;
	[tilespmem:$0x10200] =	vst v63  }
0x108: {  	s12 =	simm.s32 $0xB200  }
0x109: {  	[tilespmem:s12], [sflag:$0x1] =	stream.indirect_vreg.gather [hbm4b:s6+s3], $0x80, v3, vm0, $0xb8;
	[tilespmem:$0x10200] =	vst v63  }
0x10a: {  	s12 =	simm.s32 $0xBA00  }
0x10b: {  	[tilespmem:s12], [sflag:$0x1] =	stream.indirect_vreg.gather [hbm4b:s7+s3], $0x80, v3, vm0, $0xb8;
	[tilespmem:$0x10200] =	vst v63  }
0x10c: {  	v3 =	vld [tilespmem:$0xB0];
	_ =	sdelay $0x4  }
0x10d: {  	v59 =	vshll.u32 v3, $0x3  }
0x10e: {  	v3 =	vand.u32 $0x7, v3;
	v4 =	vand.u32 $0xFFFFFFC0, v59  }
0x10f: {  	v3 =	vor.u32 v3, v4  }
0x110: {  	v4 =	vperm.xlane v3, v0;
	_ =	sdelay $0x1  }
0x111: {  	v4 =	vadd.s32 v1, v4;
	_ =	sdelay $0x3  }
0x112: {  	s12 =	simm.s32 $0xC200  }
0x113: {  	[tilespmem:s12], [sflag:$0x1] =	stream.indirect_vreg.gather [hbm4b:s1+s3], $0x80, v4, vm0, $0xb8;
	[tilespmem:$0x10200] =	vst v63  }
0x114: {  	v3 =	vperm.xlane v3, v2;
	s12 =	simm.s32 $0xCA00  }
0x115: {  	[tilespmem:s12], [sflag:$0x1] =	stream.indirect_vreg.gather [hbm4b:s5+s3], $0x80, v4, vm0, $0xb8;
	[tilespmem:$0x10200] =	vst v63  }
0x116: {  	v3 =	vadd.s32 v1, v3;
	s12 =	simm.s32 $0xD200  }
0x117: {  	[tilespmem:s12], [sflag:$0x1] =	stream.indirect_vreg.gather [hbm4b:s6+s3], $0x80, v4, vm0, $0xb8;
	[tilespmem:$0x10200] =	vst v63  }
0x118: {  	s12 =	simm.s32 $0xDA00  }
0x119: {  	[tilespmem:s12], [sflag:$0x1] =	stream.indirect_vreg.gather [hbm4b:s7+s3], $0x80, v4, vm0, $0xb8;
	[tilespmem:$0x10200] =	vst v63  }
0x11a: {  	s12 =	simm.s32 $0xE200  }
0x11b: {  	[tilespmem:s12], [sflag:$0x1] =	stream.indirect_vreg.gather [hbm4b:s1+s3], $0x80, v3, vm0, $0xb8;
	[tilespmem:$0x10200] =	vst v63  }
0x11c: {  	s12 =	simm.s32 $0xEA00  }
0x11d: {  	[tilespmem:s12], [sflag:$0x1] =	stream.indirect_vreg.gather [hbm4b:s5+s3], $0x80, v3, vm0, $0xb8;
	[tilespmem:$0x10200] =	vst v63  }
0x11e: {  	s12 =	simm.s32 $0xF200  }
0x11f: {  	[tilespmem:s12], [sflag:$0x1] =	stream.indirect_vreg.gather [hbm4b:s6+s3], $0x80, v3, vm0, $0xb8;
	[tilespmem:$0x10200] =	vst v63  }
0x120: {  	s12 =	simm.s32 $0xFA00  }
0x121: {  	[tilespmem:s12], [sflag:$0x1] =	stream.indirect_vreg.gather [hbm4b:s7+s3], $0x80, v3, vm0, $0xb8;
	[tilespmem:$0x10200] =	vst v63  }
0x122: {  	_ =	swait.ge [sflag:s0], $0x10000  }
0x123: {  	[sflag:s0] =	ssyncset.done $0x0  }
0x124: {  	[sflag:s0] =	ssyncadd.s32 $0xFFFF0000  }
0x125: {  	v3 =	vld [tilespmem:$0x180];
	_ =	sdelay $0x4  }
0x126: {  	v60 =	vshll.u32 v3, $0x3  }
0x127: {  	v3 =	vand.u32 $0x7, v3;
	v4 =	vand.u32 $0xFFFFFFC0, v60  }
0x128: {  	v3 =	vor.u32 v3, v4  }
0x129: {  	v4 =	vperm.xlane v3, v0;
	_ =	sdelay $0x1  }
0x12a: {  	v4 =	vadd.s32 v1, v4;
	_ =	sdelay $0x4  }
0x12b: {  	[hbm4b:s4+s3] =	stream.indirect_vreg.scatter [tilespmem:s28], [sflag:$0x2], $0x80, v4, vm0, $0xb8;
	[tilespmem:$0x10200] =	vst v63  }
0x12c: {  	v3 =	vperm.xlane v3, v2  }
0x12d: {  	[hbm4b:s8+s3] =	stream.indirect_vreg.scatter [tilespmem:s29], [sflag:$0x2], $0x80, v4, vm0, $0xb8;
	[tilespmem:$0x10200] =	vst v63  }
0x12e: {  	v3 =	vadd.s32 v1, v3  }
0x12f: {  	[hbm4b:s9+s3] =	stream.indirect_vreg.scatter [tilespmem:s30], [sflag:$0x2], $0x80, v4, vm0, $0xb8;
	[tilespmem:$0x10200] =	vst v63  }
0x130: {  	_ = 	snop  }
0x131: {  	[hbm4b:s10+s3] =	stream.indirect_vreg.scatter [tilespmem:s31], [sflag:$0x2], $0x80, v4, vm0, $0xb8;
	[tilespmem:$0x10200] =	vst v63  }
0x132: {  	s29 =	simm.s32 $0x2200  }
0x133: {  	[hbm4b:s4+s3] =	stream.indirect_vreg.scatter [tilespmem:s29], [sflag:$0x2], $0x80, v3, vm0, $0xb8;
	[tilespmem:$0x10200] =	vst v63  }
0x134: {  	s28 =	simm.s32 $0x2A00  }
0x135: {  	[hbm4b:s8+s3] =	stream.indirect_vreg.scatter [tilespmem:s28], [sflag:$0x2], $0x80, v3, vm0, $0xb8;
	[tilespmem:$0x10200] =	vst v63  }
0x136: {  	_ = 	snop  }
0x137: {  	[hbm4b:s9+s3] =	stream.indirect_vreg.scatter [tilespmem:s13], [sflag:$0x2], $0x80, v3, vm0, $0xb8;
	[tilespmem:$0x10200] =	vst v63  }
0x138: {  	_ = 	snop  }
0x139: {  	[hbm4b:s10+s3] =	stream.indirect_vreg.scatter [tilespmem:s14], [sflag:$0x2], $0x80, v3, vm0, $0xb8;
	[tilespmem:$0x10200] =	vst v63  }
0x13a: {  	v3 =	vld [tilespmem:$0x190];
	_ =	sdelay $0x4  }
0x13b: {  	v61 =	vshll.u32 v3, $0x3  }
0x13c: {  	v3 =	vand.u32 $0x7, v3;
	v4 =	vand.u32 $0xFFFFFFC0, v61  }
0x13d: {  	v3 =	vor.u32 v3, v4  }
0x13e: {  	v4 =	vperm.xlane v3, v0;
	_ =	sdelay $0x1  }
0x13f: {  	v4 =	vadd.s32 v1, v4;
	_ =	sdelay $0x4  }
0x140: {  	[hbm4b:s4+s3] =	stream.indirect_vreg.scatter [tilespmem:s15], [sflag:$0x2], $0x80, v4, vm0, $0xb8;
	[tilespmem:$0x10200] =	vst v63  }
0x141: {  	v3 =	vperm.xlane v3, v2  }
0x142: {  	[hbm4b:s8+s3] =	stream.indirect_vreg.scatter [tilespmem:s16], [sflag:$0x2], $0x80, v4, vm0, $0xb8;
	[tilespmem:$0x10200] =	vst v63  }
0x143: {  	v3 =	vadd.s32 v1, v3  }
0x144: {  	[hbm4b:s9+s3] =	stream.indirect_vreg.scatter [tilespmem:s17], [sflag:$0x2], $0x80, v4, vm0, $0xb8;
	[tilespmem:$0x10200] =	vst v63  }
0x145: {  	_ = 	snop  }
0x146: {  	[hbm4b:s10+s3] =	stream.indirect_vreg.scatter [tilespmem:s18], [sflag:$0x2], $0x80, v4, vm0, $0xb8;
	[tilespmem:$0x10200] =	vst v63  }
0x147: {  	_ = 	snop  }
0x148: {  	[hbm4b:s4+s3] =	stream.indirect_vreg.scatter [tilespmem:s19], [sflag:$0x2], $0x80, v3, vm0, $0xb8;
	[tilespmem:$0x10200] =	vst v63  }
0x149: {  	_ = 	snop  }
0x14a: {  	[hbm4b:s8+s3] =	stream.indirect_vreg.scatter [tilespmem:s20], [sflag:$0x2], $0x80, v3, vm0, $0xb8;
	[tilespmem:$0x10200] =	vst v63  }
0x14b: {  	_ = 	snop  }
0x14c: {  	[hbm4b:s9+s3] =	stream.indirect_vreg.scatter [tilespmem:s21], [sflag:$0x2], $0x80, v3, vm0, $0xb8;
	[tilespmem:$0x10200] =	vst v63  }
0x14d: {  	_ = 	snop  }
0x14e: {  	[hbm4b:s10+s3] =	stream.indirect_vreg.scatter [tilespmem:s22], [sflag:$0x2], $0x80, v3, vm0, $0xb8;
	[tilespmem:$0x10200] =	vst v63  }
0x14f: {  	v3 =	vld [tilespmem:$0x1A0];
	_ =	sdelay $0x4  }
0x150: {  	v62 =	vshll.u32 v3, $0x3  }
0x151: {  	v3 =	vand.u32 $0x7, v3;
	v4 =	vand.u32 $0xFFFFFFC0, v62  }
0x152: {  	v3 =	vor.u32 v3, v4  }
0x153: {  	v4 =	vperm.xlane v3, v0;
	_ =	sdelay $0x1  }
0x154: {  	v4 =	vadd.s32 v1, v4;
	_ =	sdelay $0x4  }
0x155: {  	[hbm4b:s4+s3] =	stream.indirect_vreg.scatter [tilespmem:s23], [sflag:$0x2], $0x80, v4, vm0, $0xb8;
	[tilespmem:$0x10200] =	vst v63  }
0x156: {  	v3 =	vperm.xlane v3, v2  }
0x157: {  	[hbm4b:s8+s3] =	stream.indirect_vreg.scatter [tilespmem:s24], [sflag:$0x2], $0x80, v4, vm0, $0xb8;
	[tilespmem:$0x10200] =	vst v63  }
0x158: {  	s29 =	simm.s32 $0x9200;
	v3 =	vadd.s32 v1, v3  }
0x159: {  	[hbm4b:s9+s3] =	stream.indirect_vreg.scatter [tilespmem:s29], [sflag:$0x2], $0x80, v4, vm0, $0xb8;
	[tilespmem:$0x10200] =	vst v63  }
0x15a: {  	_ = 	snop  }
0x15b: {  	[hbm4b:s10+s3] =	stream.indirect_vreg.scatter [tilespmem:s25], [sflag:$0x2], $0x80, v4, vm0, $0xb8;
	[tilespmem:$0x10200] =	vst v63  }
0x15c: {  	_ = 	snop  }
0x15d: {  	[hbm4b:s4+s3] =	stream.indirect_vreg.scatter [tilespmem:s26], [sflag:$0x2], $0x80, v3, vm0, $0xb8;
	[tilespmem:$0x10200] =	vst v63  }
0x15e: {  	s28 =	simm.s32 $0xAA00  }
0x15f: {  	[hbm4b:s8+s3] =	stream.indirect_vreg.scatter [tilespmem:s28], [sflag:$0x2], $0x80, v3, vm0, $0xb8;
	[tilespmem:$0x10200] =	vst v63  }
0x160: {  	s29 =	simm.s32 $0xB200  }
0x161: {  	[hbm4b:s9+s3] =	stream.indirect_vreg.scatter [tilespmem:s29], [sflag:$0x2], $0x80, v3, vm0, $0xb8;
	[tilespmem:$0x10200] =	vst v63  }
0x162: {  	s28 =	simm.s32 $0xBA00  }
0x163: {  	[hbm4b:s10+s3] =	stream.indirect_vreg.scatter [tilespmem:s28], [sflag:$0x2], $0x80, v3, vm0, $0xb8;
	[tilespmem:$0x10200] =	vst v63  }
0x164: {  	v3 =	vld [tilespmem:$0x1B0];
	_ =	sdelay $0x4  }
0x165: {  	v63 =	vshll.u32 v3, $0x3  }
0x166: {  	v3 =	vand.u32 $0x7, v3;
	v4 =	vand.u32 $0xFFFFFFC0, v63  }
0x167: {  	v3 =	vor.u32 v3, v4  }
0x168: {  	v4 =	vperm.xlane v3, v0;
	_ =	sdelay $0x1  }
0x169: {  	v4 =	vadd.s32 v1, v4;
	_ =	sdelay $0x3  }
0x16a: {  	s29 =	simm.s32 $0xC200  }
0x16b: {  	[hbm4b:s4+s3] =	stream.indirect_vreg.scatter [tilespmem:s29], [sflag:$0x2], $0x80, v4, vm0, $0xb8;
	[tilespmem:$0x10200] =	vst v63  }
0x16c: {  	s28 =	simm.s32 $0xCA00;
	v3 =	vperm.xlane v3, v2  }
0x16d: {  	[hbm4b:s8+s3] =	stream.indirect_vreg.scatter [tilespmem:s28], [sflag:$0x2], $0x80, v4, vm0, $0xb8;
	[tilespmem:$0x10200] =	vst v63  }
0x16e: {  	v3 =	vadd.s32 v1, v3;
	s29 =	simm.s32 $0xD200  }
0x16f: {  	[hbm4b:s9+s3] =	stream.indirect_vreg.scatter [tilespmem:s29], [sflag:$0x2], $0x80, v4, vm0, $0xb8;
	[tilespmem:$0x10200] =	vst v63  }
0x170: {  	s28 =	simm.s32 $0xDA00  }
0x171: {  	[hbm4b:s10+s3] =	stream.indirect_vreg.scatter [tilespmem:s28], [sflag:$0x2], $0x80, v4, vm0, $0xb8;
	[tilespmem:$0x10200] =	vst v63  }
0x172: {  	s29 =	simm.s32 $0xE200  }
0x173: {  	[hbm4b:s4+s3] =	stream.indirect_vreg.scatter [tilespmem:s29], [sflag:$0x2], $0x80, v3, vm0, $0xb8;
	[tilespmem:$0x10200] =	vst v63  }
0x174: {  	s28 =	simm.s32 $0xEA00  }
0x175: {  	[hbm4b:s8+s3] =	stream.indirect_vreg.scatter [tilespmem:s28], [sflag:$0x2], $0x80, v3, vm0, $0xb8;
	[tilespmem:$0x10200] =	vst v63  }
0x176: {  	p0 =	sne.s32 s2, $0x1;
	s29 =	simm.s32 $0xF200  }
0x177: {  	[hbm4b:s9+s3] =	stream.indirect_vreg.scatter [tilespmem:s29], [sflag:$0x2], $0x80, v3, vm0, $0xb8;
	[tilespmem:$0x10200] =	vst v63  }
.Ltmp0:
0x178: {  	s12 =	simm.s32 $0xFA00;
	(pc) =	sbr.rel @p0 .LBB2_1-.Ltmp0, $4  }
0x179: {  	[hbm4b:s10+s3] =	stream.indirect_vreg.scatter [tilespmem:s12], [sflag:$0x2], $0x80, v3, vm0, $0xb8;
	[tilespmem:$0x10200] =	vst v63  }
0x17a: {  	_ =	swait.ge [sflag:s11], $0x10000  }
0x17b: {  	[sflag:s11] =	ssyncset.done $0x0  }
0x17c: {  	s2 =	sadd.s32 $0xFFFFFFFF, s2;
	[sflag:s11] =	ssyncadd.s32 $0xFFFF0000  }
0x17d: {  	_ =	sfence.sel $0x180000  }
0x17e: {  	[bflag:$0x0] =	sbarrier.arrive $0xFFFF  }
0x17f: {  	_ =	strace $0x90000047  }
0x180: {  	s0 =	stileid.u32;
	[bflag:$0x2] =	sbarrier.arrive $0xFFFF  }
0x181: {  	p0 =	sne.s32 s0, $0x0;
	s0 =	rddreg [dreg:$0x3]  }
0x182: {  	s0 =	sadd.s32 @!p0 $0x100000, s0  }
0x183: {  	[sflag:s0] =	ssyncadd.tile.s32 @!p0 $0x1;
	_ =	shalt  }
.Lfunc_end2:
_tile_overlayer_lowered:
.L_overlay_start_2:
0x184: {  	(tag) =	ssettag $0x2  }
0x185: {  	s0 =	rddreg [dreg:$0x0];
	s2 =	stileid.u32  }
0x186: {  	s1 =	rddreg [dreg:$0x1];
	p0 =	sne.s32 s2, $0x0  }
0x187: {  	s3 =	rddreg [dreg:$0x2];
	[bflag:$0x3] =	sbarrier.arrive $0xFFFF;
	s2 =	simm.s32 @!p0 $0x1C03  }
0x188: {  	[timem:s3], [sflag:s2] =	dma.local @!p0 [hbm:s0], s1  }
0x189: {  	s0 =	simm.s32 @!p0 $0x3  }
0x18a: {  	_ =	swait.ge @!p0 [sflag:s0], s1  }
0x18b: {  	s1 =	ssub.s32 @!p0 $0x0, s1;
	[sflag:s0] =	ssyncset.done @!p0 $0x0  }
0x18c: {  	[sflag:s0] =	ssyncadd.s32 @!p0 s1  }
0x18d: {  	[bflag:$0x3] =	sbarrier.arrive $0xFFFF  }
0x18e: {  	_ =	shalt  }

</sc_bundles>
